<compile_context>
chip_gen: v7x
topology: tpu7x:2x2x1
jax: 0.10.2.dev20260603
libtpu: 0.0.44.dev20260713+nightly
codegen_flags: <defaults>
</compile_context>

<pallas_src>
import functools

import jax
import jax.numpy as jnp
from jax import lax
from jax.experimental import pallas as pl
from jax.experimental.pallas import tpu as pltpu
from jax.experimental.pallas import tpu_sc as plsc

NC = 2
NS = 16
NW = NC * NS

N_TOKENS = 8192
IN_DIM = 768
OUT_DIM = 768
NUM_EXPERTS = 8
TOP_K = 2

TILE_N = 256


def _moe_tile_kernel(x_ref, wg_ref, bg_ref, we_ref, be_ref, out_ref):
    x_t = x_ref[:]
    scores = jnp.dot(x_t, wg_ref[:], preferred_element_type=jnp.float32)
    scores = scores + bg_ref[:]

    t = x_t.shape[0]
    e_iota = jax.lax.broadcasted_iota(jnp.int32, (t, NUM_EXPERTS), 1)

    m1 = jnp.max(scores, axis=-1, keepdims=True)
    i1 = jnp.min(jnp.where(scores == m1, e_iota, NUM_EXPERTS), axis=-1,
                 keepdims=True)
    oh1 = (e_iota == i1)

    scores2 = jnp.where(oh1, -jnp.inf, scores)
    m2 = jnp.max(scores2, axis=-1, keepdims=True)
    i2 = jnp.min(jnp.where(scores2 == m2, e_iota, NUM_EXPERTS), axis=-1,
                 keepdims=True)
    oh2 = (e_iota == i2)

    d = jnp.exp(m2 - m1)
    w1 = 1.0 / (1.0 + d)
    w2 = d / (1.0 + d)
    wvec = w1 * oh1.astype(jnp.float32) + w2 * oh2.astype(jnp.float32)

    acc = jnp.zeros((t, OUT_DIM), dtype=jnp.float32)
    for e in range(NUM_EXPERTS):
        y = jnp.dot(x_t, we_ref[e], preferred_element_type=jnp.float32)
        y = y + be_ref[e][None, :]
        acc = acc + wvec[:, e][:, None] * y
    out_ref[:] = acc


ROWS_PER_W = N_TOKENS // NW
GCHUNK = 64
NCHUNK = ROWS_PER_W // GCHUNK


def _sc_gather_rows(idx_hbm, x_hbm, out_hbm, idx_v, rows_v, sem):
    wid = lax.axis_index("s") * NC + lax.axis_index("c")
    base = wid * ROWS_PER_W
    for c in range(NCHUNK):
        pltpu.sync_copy(idx_hbm.at[wid, c], idx_v)
        pltpu.async_copy(x_hbm.at[idx_v], rows_v, sem).wait()
        pltpu.sync_copy(rows_v, out_hbm.at[pl.ds(base + c * GCHUNK, GCHUNK)])


_gather_call = functools.partial(
    pl.kernel,
    out_type=jax.ShapeDtypeStruct((N_TOKENS, IN_DIM), jnp.float32),
    mesh=plsc.VectorSubcoreMesh(core_axis_name="c", subcore_axis_name="s"),
    scratch_types=[
        pltpu.VMEM((GCHUNK,), jnp.int32),
        pltpu.VMEM((GCHUNK, IN_DIM), jnp.float32),
        pltpu.SemaphoreType.DMA,
    ],
)


@jax.jit
def kernel(x, W_g, b_g, W_e, b_e):
    n = x.shape[0]
    idx = jnp.arange(n, dtype=jnp.int32).reshape(NW, NCHUNK, GCHUNK)
    x = _gather_call(_sc_gather_rows)(idx, x)
    grid = (n // TILE_N,)
    return pl.pallas_call(
        _moe_tile_kernel,
        grid=grid,
        in_specs=[
            pl.BlockSpec((TILE_N, IN_DIM), lambda i: (i, 0)),
            pl.BlockSpec((IN_DIM, NUM_EXPERTS), lambda i: (0, 0)),
            pl.BlockSpec((NUM_EXPERTS,), lambda i: (0,)),
            pl.BlockSpec((NUM_EXPERTS, IN_DIM, OUT_DIM), lambda i: (0, 0, 0)),
            pl.BlockSpec((NUM_EXPERTS, OUT_DIM), lambda i: (0, 0)),
        ],
        out_specs=pl.BlockSpec((TILE_N, OUT_DIM), lambda i: (i, 0)),
        out_shape=jax.ShapeDtypeStruct((n, OUT_DIM), jnp.float32),
    )(x, W_g, b_g, W_e, b_e)

# --- scband reference (transcript-rebuilt; emitter-appended) ---
"""Pipeline reference for scband-mo-flayer-9414568312947 (READ-ONLY COPY).

The authoritative reference and input builder live on the scoring server;
editing this copy changes nothing except your own understanding.
"""

import jax, jax.numpy as jnp
import numpy as np

N_TOKENS = 8192
IN_DIM = 768
OUT_DIM = 768
NUM_EXPERTS = 8
TOP_K = 2

def setup_inputs(seed: int = 0) -> dict:
    key = jax.random.key(seed)
    k_x, k_wg, k_bg, k_we, k_be = jax.random.split(key, 5)
    x = jax.random.normal(k_x, (N_TOKENS, IN_DIM), dtype=jnp.float32)
    W_g = jax.random.normal(k_wg, (IN_DIM, NUM_EXPERTS), dtype=jnp.float32) * 0.02
    b_g = jax.random.normal(k_bg, (NUM_EXPERTS,), dtype=jnp.float32) * 0.02
    W_e = jax.random.normal(k_we, (NUM_EXPERTS, IN_DIM, OUT_DIM), dtype=jnp.float32) * 0.02
    b_e = jax.random.normal(k_be, (NUM_EXPERTS, OUT_DIM), dtype=jnp.float32) * 0.02
    return {"x": x, "W_g": W_g, "b_g": b_g, "W_e": W_e, "b_e": b_e}

def reference(x, W_g, b_g, W_e, b_e):
    # gating_scores = self.gating(x)
    gating_scores = x @ W_g + b_g  # [N, E]
    # top-k selection
    top_k_scores, top_k_indices = jax.lax.top_k(gating_scores, TOP_K)  # [N, K]
    # mask = zeros.scatter_(-1, top_k_indices, 1)
    mask = jax.nn.one_hot(top_k_indices, NUM_EXPERTS, dtype=gating_scores.dtype).sum(axis=-2)  # [N, E]
    # gating_weights = softmax(masked_fill(scores, mask==0, -inf))
    masked_scores = jnp.where(mask == 0, -jnp.inf, gating_scores)
    gating_weights = jax.nn.softmax(masked_scores, axis=-1)  # [N, E]
    # expert_outputs = stack([expert(x) for expert in experts], dim=1)
    expert_outputs = jnp.einsum('nd,edf->nef', x, W_e) + b_e[None, :, :]  # [N, E, out]
    # final = sum(weights.unsqueeze(-1) * expert_outputs, dim=1)
    final_output = jnp.sum(gating_weights[:, :, None] * expert_outputs, axis=1)  # [N, out]
    return final_output

if __name__ == "__main__":
    import jax
    _d = setup_inputs()
    print(jax.jit(kernel)(*tuple(_d.values())))

</pallas_src>

<mosaic_0001>
#map = affine_map<(d0, d1) -> (0, 0, 0)>
#map1 = affine_map<(d0, d1) -> (0, 0)>
module attributes {stable_mosaic.version = 14 : i64} {
  func.func @_sc_gather_rows(%arg0: i32, %arg1: i32, %arg2: memref<32x4x64xi32, #tpu.memory_space<hbm>>, %arg3: memref<8192x768xf32, #tpu.memory_space<hbm>>, %arg4: memref<8192x768xf32, #tpu.memory_space<hbm>>, %arg5: memref<64xi32, #tpu.memory_space<vmem>>, %arg6: memref<64x768xf32, #tpu.memory_space<vmem>>, %arg7: memref<!tpu.dma_semaphore, #tpu.memory_space<semaphore_mem>>) attributes {dimension_semantics = [#tpu.dimension_semantics<core_parallel>, #tpu.dimension_semantics<subcore_parallel>], iteration_bounds = array<i64: 2, 16>, scalar_prefetch = 0 : i64, scratch_operands = 3 : i64, tpu.core_type = #tpu.core_type<sc_vector_subcore>, window_params = [{transform_indices = #map}, {transform_indices = #map1}, {transform_indices = #map1}]} {
    %mul3A = arith.constant 2 : i32
    %mul3A_0 = arith.muli %arg1, %mul3A : i32
    %add3A = arith.addi %mul3A_0, %arg0 : i32
    %mul3A_1 = arith.constant 256 : i32
    %mul3A_2 = arith.muli %add3A, %mul3A_1 : i32
    %run_scoped3A = arith.constant 0 : i32
    "tpu.region"() ({
      %run_scoped3A_36 = tpu.sem_alloc : memref<!tpu.dma_semaphore, #tpu.memory_space<semaphore_mem>>
      %dma_start3A_37 = arith.constant 0 : i32
      %dma_start3A_38 = tpu.memref_slice %arg2[%add3A, %run_scoped3A, %dma_start3A_37] : memref<32x4x64xi32, #tpu.memory_space<hbm>> -> memref<1x1x64xi32, #tpu.memory_space<hbm>>
      %dma_start3A_39 = tpu.memref_squeeze %dma_start3A_38 : memref<1x1x64xi32, #tpu.memory_space<hbm>> -> memref<64xi32, #tpu.memory_space<hbm>>
      %dma_start3A_40 = arith.constant 0 : i32
      %dma_start3A_41 = tpu.memref_slice %arg2[%add3A, %run_scoped3A, %dma_start3A_40] : memref<32x4x64xi32, #tpu.memory_space<hbm>> -> memref<1x1x64xi32, #tpu.memory_space<hbm>>
      %dma_start3A_42 = tpu.memref_squeeze %dma_start3A_41 : memref<1x1x64xi32, #tpu.memory_space<hbm>> -> memref<64xi32, #tpu.memory_space<hbm>>
      tpu.enqueue_dma source(%dma_start3A_42 : memref<64xi32, #tpu.memory_space<hbm>>) target(%arg5 : memref<64xi32, #tpu.memory_space<vmem>>) target_semaphore(%run_scoped3A_36 : memref<!tpu.dma_semaphore, #tpu.memory_space<semaphore_mem>>)
      %dma_wait3A_43 = arith.constant 0 : i32
      %dma_wait3A_44 = tpu.memref_slice %arg2[%add3A, %run_scoped3A, %dma_wait3A_43] : memref<32x4x64xi32, #tpu.memory_space<hbm>> -> memref<1x1x64xi32, #tpu.memory_space<hbm>>
      %dma_wait3A_45 = tpu.memref_squeeze %dma_wait3A_44 : memref<1x1x64xi32, #tpu.memory_space<hbm>> -> memref<64xi32, #tpu.memory_space<hbm>>
      %dma_wait3A_46 = arith.constant 0 : i32
      %dma_wait3A_47 = tpu.memref_slice %arg2[%add3A, %run_scoped3A, %dma_wait3A_46] : memref<32x4x64xi32, #tpu.memory_space<hbm>> -> memref<1x1x64xi32, #tpu.memory_space<hbm>>
      %dma_wait3A_48 = tpu.memref_squeeze %dma_wait3A_47 : memref<1x1x64xi32, #tpu.memory_space<hbm>> -> memref<64xi32, #tpu.memory_space<hbm>>
      tpu.wait_dma2 semaphore(%run_scoped3A_36 : memref<!tpu.dma_semaphore, #tpu.memory_space<semaphore_mem>>) src(%dma_wait3A_48 : memref<64xi32, #tpu.memory_space<hbm>>) dst(%arg5 : memref<64xi32, #tpu.memory_space<vmem>>)
      tpu.yield
    }) : () -> ()
    %dma_start3A = arith.constant 0 : i32
    %dma_start3A_3 = arith.constant 0 : i32
    %dma_start3A_4 = tpu.memref_slice %arg3[%dma_start3A, %dma_start3A_3] : memref<8192x768xf32, #tpu.memory_space<hbm>> -> memref<8192x768xf32, #tpu.memory_space<hbm>>
    tpu.enqueue_indirect_dma source(%dma_start3A_4 : memref<8192x768xf32, #tpu.memory_space<hbm>>) target(%arg6 : memref<64x768xf32, #tpu.memory_space<vmem>>) offsets(%arg5 : memref<64xi32, #tpu.memory_space<vmem>>) semaphore(%arg7 : memref<!tpu.dma_semaphore, #tpu.memory_space<semaphore_mem>>)
    %dma_wait3A = arith.constant 0 : i32
    %dma_wait3A_5 = arith.constant 0 : i32
    %dma_wait3A_6 = tpu.memref_slice %arg3[%dma_wait3A, %dma_wait3A_5] : memref<8192x768xf32, #tpu.memory_space<hbm>> -> memref<8192x768xf32, #tpu.memory_space<hbm>>
    tpu.wait_indirect_dma semaphore(%arg7 : memref<!tpu.dma_semaphore, #tpu.memory_space<semaphore_mem>>) src(%dma_wait3A_6 : memref<8192x768xf32, #tpu.memory_space<hbm>>) dst(%arg6 : memref<64x768xf32, #tpu.memory_space<vmem>>)
    %add3A_7 = arith.constant 0 : i32
    %add3A_8 = arith.addi %mul3A_2, %add3A_7 : i32
    "tpu.region"() ({
      %run_scoped3A_36 = tpu.sem_alloc : memref<!tpu.dma_semaphore, #tpu.memory_space<semaphore_mem>>
      %dma_start3A_37 = arith.constant 0 : i32
      %dma_start3A_38 = tpu.memref_slice %arg4[%add3A_8, %dma_start3A_37] : memref<8192x768xf32, #tpu.memory_space<hbm>> -> memref<64x768xf32, #tpu.memory_space<hbm>>
      %dma_start3A_39 = arith.constant 0 : i32
      %dma_start3A_40 = tpu.memref_slice %arg4[%add3A_8, %dma_start3A_39] : memref<8192x768xf32, #tpu.memory_space<hbm>> -> memref<64x768xf32, #tpu.memory_space<hbm>>
      tpu.enqueue_dma source(%arg6 : memref<64x768xf32, #tpu.memory_space<vmem>>) target(%dma_start3A_40 : memref<64x768xf32, #tpu.memory_space<hbm>>) target_semaphore(%run_scoped3A_36 : memref<!tpu.dma_semaphore, #tpu.memory_space<semaphore_mem>>)
      %dma_wait3A_41 = arith.constant 0 : i32
      %dma_wait3A_42 = tpu.memref_slice %arg4[%add3A_8, %dma_wait3A_41] : memref<8192x768xf32, #tpu.memory_space<hbm>> -> memref<64x768xf32, #tpu.memory_space<hbm>>
      %dma_wait3A_43 = arith.constant 0 : i32
      %dma_wait3A_44 = tpu.memref_slice %arg4[%add3A_8, %dma_wait3A_43] : memref<8192x768xf32, #tpu.memory_space<hbm>> -> memref<64x768xf32, #tpu.memory_space<hbm>>
      tpu.wait_dma2 semaphore(%run_scoped3A_36 : memref<!tpu.dma_semaphore, #tpu.memory_space<semaphore_mem>>) src(%arg6 : memref<64x768xf32, #tpu.memory_space<vmem>>) dst(%dma_wait3A_44 : memref<64x768xf32, #tpu.memory_space<hbm>>)
      tpu.yield
    }) : () -> ()
    %run_scoped3A_9 = arith.constant 1 : i32
    "tpu.region"() ({
      %run_scoped3A_36 = tpu.sem_alloc : memref<!tpu.dma_semaphore, #tpu.memory_space<semaphore_mem>>
      %dma_start3A_37 = arith.constant 0 : i32
      %dma_start3A_38 = tpu.memref_slice %arg2[%add3A, %run_scoped3A_9, %dma_start3A_37] : memref<32x4x64xi32, #tpu.memory_space<hbm>> -> memref<1x1x64xi32, #tpu.memory_space<hbm>>
      %dma_start3A_39 = tpu.memref_squeeze %dma_start3A_38 : memref<1x1x64xi32, #tpu.memory_space<hbm>> -> memref<64xi32, #tpu.memory_space<hbm>>
      %dma_start3A_40 = arith.constant 0 : i32
      %dma_start3A_41 = tpu.memref_slice %arg2[%add3A, %run_scoped3A_9, %dma_start3A_40] : memref<32x4x64xi32, #tpu.memory_space<hbm>> -> memref<1x1x64xi32, #tpu.memory_space<hbm>>
      %dma_start3A_42 = tpu.memref_squeeze %dma_start3A_41 : memref<1x1x64xi32, #tpu.memory_space<hbm>> -> memref<64xi32, #tpu.memory_space<hbm>>
      tpu.enqueue_dma source(%dma_start3A_42 : memref<64xi32, #tpu.memory_space<hbm>>) target(%arg5 : memref<64xi32, #tpu.memory_space<vmem>>) target_semaphore(%run_scoped3A_36 : memref<!tpu.dma_semaphore, #tpu.memory_space<semaphore_mem>>)
      %dma_wait3A_43 = arith.constant 0 : i32
      %dma_wait3A_44 = tpu.memref_slice %arg2[%add3A, %run_scoped3A_9, %dma_wait3A_43] : memref<32x4x64xi32, #tpu.memory_space<hbm>> -> memref<1x1x64xi32, #tpu.memory_space<hbm>>
      %dma_wait3A_45 = tpu.memref_squeeze %dma_wait3A_44 : memref<1x1x64xi32, #tpu.memory_space<hbm>> -> memref<64xi32, #tpu.memory_space<hbm>>
      %dma_wait3A_46 = arith.constant 0 : i32
      %dma_wait3A_47 = tpu.memref_slice %arg2[%add3A, %run_scoped3A_9, %dma_wait3A_46] : memref<32x4x64xi32, #tpu.memory_space<hbm>> -> memref<1x1x64xi32, #tpu.memory_space<hbm>>
      %dma_wait3A_48 = tpu.memref_squeeze %dma_wait3A_47 : memref<1x1x64xi32, #tpu.memory_space<hbm>> -> memref<64xi32, #tpu.memory_space<hbm>>
      tpu.wait_dma2 semaphore(%run_scoped3A_36 : memref<!tpu.dma_semaphore, #tpu.memory_space<semaphore_mem>>) src(%dma_wait3A_48 : memref<64xi32, #tpu.memory_space<hbm>>) dst(%arg5 : memref<64xi32, #tpu.memory_space<vmem>>)
      tpu.yield
    }) : () -> ()
    %dma_start3A_10 = arith.constant 0 : i32
    %dma_start3A_11 = arith.constant 0 : i32
    %dma_start3A_12 = tpu.memref_slice %arg3[%dma_start3A_10, %dma_start3A_11] : memref<8192x768xf32, #tpu.memory_space<hbm>> -> memref<8192x768xf32, #tpu.memory_space<hbm>>
    tpu.enqueue_indirect_dma source(%dma_start3A_12 : memref<8192x768xf32, #tpu.memory_space<hbm>>) target(%arg6 : memref<64x768xf32, #tpu.memory_space<vmem>>) offsets(%arg5 : memref<64xi32, #tpu.memory_space<vmem>>) semaphore(%arg7 : memref<!tpu.dma_semaphore, #tpu.memory_space<semaphore_mem>>)
    %dma_wait3A_13 = arith.constant 0 : i32
    %dma_wait3A_14 = arith.constant 0 : i32
    %dma_wait3A_15 = tpu.memref_slice %arg3[%dma_wait3A_13, %dma_wait3A_14] : memref<8192x768xf32, #tpu.memory_space<hbm>> -> memref<8192x768xf32, #tpu.memory_space<hbm>>
    tpu.wait_indirect_dma semaphore(%arg7 : memref<!tpu.dma_semaphore, #tpu.memory_space<semaphore_mem>>) src(%dma_wait3A_15 : memref<8192x768xf32, #tpu.memory_space<hbm>>) dst(%arg6 : memref<64x768xf32, #tpu.memory_space<vmem>>)
    %add3A_16 = arith.constant 64 : i32
    %add3A_17 = arith.addi %mul3A_2, %add3A_16 : i32
    "tpu.region"() ({
      %run_scoped3A_36 = tpu.sem_alloc : memref<!tpu.dma_semaphore, #tpu.memory_space<semaphore_mem>>
      %dma_start3A_37 = arith.constant 0 : i32
      %dma_start3A_38 = tpu.memref_slice %arg4[%add3A_17, %dma_start3A_37] : memref<8192x768xf32, #tpu.memory_space<hbm>> -> memref<64x768xf32, #tpu.memory_space<hbm>>
      %dma_start3A_39 = arith.constant 0 : i32
      %dma_start3A_40 = tpu.memref_slice %arg4[%add3A_17, %dma_start3A_39] : memref<8192x768xf32, #tpu.memory_space<hbm>> -> memref<64x768xf32, #tpu.memory_space<hbm>>
      tpu.enqueue_dma source(%arg6 : memref<64x768xf32, #tpu.memory_space<vmem>>) target(%dma_start3A_40 : memref<64x768xf32, #tpu.memory_space<hbm>>) target_semaphore(%run_scoped3A_36 : memref<!tpu.dma_semaphore, #tpu.memory_space<semaphore_mem>>)
      %dma_wait3A_41 = arith.constant 0 : i32
      %dma_wait3A_42 = tpu.memref_slice %arg4[%add3A_17, %dma_wait3A_41] : memref<8192x768xf32, #tpu.memory_space<hbm>> -> memref<64x768xf32, #tpu.memory_space<hbm>>
      %dma_wait3A_43 = arith.constant 0 : i32
      %dma_wait3A_44 = tpu.memref_slice %arg4[%add3A_17, %dma_wait3A_43] : memref<8192x768xf32, #tpu.memory_space<hbm>> -> memref<64x768xf32, #tpu.memory_space<hbm>>
      tpu.wait_dma2 semaphore(%run_scoped3A_36 : memref<!tpu.dma_semaphore, #tpu.memory_space<semaphore_mem>>) src(%arg6 : memref<64x768xf32, #tpu.memory_space<vmem>>) dst(%dma_wait3A_44 : memref<64x768xf32, #tpu.memory_space<hbm>>)
      tpu.yield
    }) : () -> ()
    %run_scoped3A_18 = arith.constant 2 : i32
    "tpu.region"() ({
      %run_scoped3A_36 = tpu.sem_alloc : memref<!tpu.dma_semaphore, #tpu.memory_space<semaphore_mem>>
      %dma_start3A_37 = arith.constant 0 : i32
      %dma_start3A_38 = tpu.memref_slice %arg2[%add3A, %run_scoped3A_18, %dma_start3A_37] : memref<32x4x64xi32, #tpu.memory_space<hbm>> -> memref<1x1x64xi32, #tpu.memory_space<hbm>>
      %dma_start3A_39 = tpu.memref_squeeze %dma_start3A_38 : memref<1x1x64xi32, #tpu.memory_space<hbm>> -> memref<64xi32, #tpu.memory_space<hbm>>
      %dma_start3A_40 = arith.constant 0 : i32
      %dma_start3A_41 = tpu.memref_slice %arg2[%add3A, %run_scoped3A_18, %dma_start3A_40] : memref<32x4x64xi32, #tpu.memory_space<hbm>> -> memref<1x1x64xi32, #tpu.memory_space<hbm>>
      %dma_start3A_42 = tpu.memref_squeeze %dma_start3A_41 : memref<1x1x64xi32, #tpu.memory_space<hbm>> -> memref<64xi32, #tpu.memory_space<hbm>>
      tpu.enqueue_dma source(%dma_start3A_42 : memref<64xi32, #tpu.memory_space<hbm>>) target(%arg5 : memref<64xi32, #tpu.memory_space<vmem>>) target_semaphore(%run_scoped3A_36 : memref<!tpu.dma_semaphore, #tpu.memory_space<semaphore_mem>>)
      %dma_wait3A_43 = arith.constant 0 : i32
      %dma_wait3A_44 = tpu.memref_slice %arg2[%add3A, %run_scoped3A_18, %dma_wait3A_43] : memref<32x4x64xi32, #tpu.memory_space<hbm>> -> memref<1x1x64xi32, #tpu.memory_space<hbm>>
      %dma_wait3A_45 = tpu.memref_squeeze %dma_wait3A_44 : memref<1x1x64xi32, #tpu.memory_space<hbm>> -> memref<64xi32, #tpu.memory_space<hbm>>
      %dma_wait3A_46 = arith.constant 0 : i32
      %dma_wait3A_47 = tpu.memref_slice %arg2[%add3A, %run_scoped3A_18, %dma_wait3A_46] : memref<32x4x64xi32, #tpu.memory_space<hbm>> -> memref<1x1x64xi32, #tpu.memory_space<hbm>>
      %dma_wait3A_48 = tpu.memref_squeeze %dma_wait3A_47 : memref<1x1x64xi32, #tpu.memory_space<hbm>> -> memref<64xi32, #tpu.memory_space<hbm>>
      tpu.wait_dma2 semaphore(%run_scoped3A_36 : memref<!tpu.dma_semaphore, #tpu.memory_space<semaphore_mem>>) src(%dma_wait3A_48 : memref<64xi32, #tpu.memory_space<hbm>>) dst(%arg5 : memref<64xi32, #tpu.memory_space<vmem>>)
      tpu.yield
    }) : () -> ()
    %dma_start3A_19 = arith.constant 0 : i32
    %dma_start3A_20 = arith.constant 0 : i32
    %dma_start3A_21 = tpu.memref_slice %arg3[%dma_start3A_19, %dma_start3A_20] : memref<8192x768xf32, #tpu.memory_space<hbm>> -> memref<8192x768xf32, #tpu.memory_space<hbm>>
    tpu.enqueue_indirect_dma source(%dma_start3A_21 : memref<8192x768xf32, #tpu.memory_space<hbm>>) target(%arg6 : memref<64x768xf32, #tpu.memory_space<vmem>>) offsets(%arg5 : memref<64xi32, #tpu.memory_space<vmem>>) semaphore(%arg7 : memref<!tpu.dma_semaphore, #tpu.memory_space<semaphore_mem>>)
    %dma_wait3A_22 = arith.constant 0 : i32
    %dma_wait3A_23 = arith.constant 0 : i32
    %dma_wait3A_24 = tpu.memref_slice %arg3[%dma_wait3A_22, %dma_wait3A_23] : memref<8192x768xf32, #tpu.memory_space<hbm>> -> memref<8192x768xf32, #tpu.memory_space<hbm>>
    tpu.wait_indirect_dma semaphore(%arg7 : memref<!tpu.dma_semaphore, #tpu.memory_space<semaphore_mem>>) src(%dma_wait3A_24 : memref<8192x768xf32, #tpu.memory_space<hbm>>) dst(%arg6 : memref<64x768xf32, #tpu.memory_space<vmem>>)
    %add3A_25 = arith.constant 128 : i32
    %add3A_26 = arith.addi %mul3A_2, %add3A_25 : i32
    "tpu.region"() ({
      %run_scoped3A_36 = tpu.sem_alloc : memref<!tpu.dma_semaphore, #tpu.memory_space<semaphore_mem>>
      %dma_start3A_37 = arith.constant 0 : i32
      %dma_start3A_38 = tpu.memref_slice %arg4[%add3A_26, %dma_start3A_37] : memref<8192x768xf32, #tpu.memory_space<hbm>> -> memref<64x768xf32, #tpu.memory_space<hbm>>
      %dma_start3A_39 = arith.constant 0 : i32
      %dma_start3A_40 = tpu.memref_slice %arg4[%add3A_26, %dma_start3A_39] : memref<8192x768xf32, #tpu.memory_space<hbm>> -> memref<64x768xf32, #tpu.memory_space<hbm>>
      tpu.enqueue_dma source(%arg6 : memref<64x768xf32, #tpu.memory_space<vmem>>) target(%dma_start3A_40 : memref<64x768xf32, #tpu.memory_space<hbm>>) target_semaphore(%run_scoped3A_36 : memref<!tpu.dma_semaphore, #tpu.memory_space<semaphore_mem>>)
      %dma_wait3A_41 = arith.constant 0 : i32
      %dma_wait3A_42 = tpu.memref_slice %arg4[%add3A_26, %dma_wait3A_41] : memref<8192x768xf32, #tpu.memory_space<hbm>> -> memref<64x768xf32, #tpu.memory_space<hbm>>
      %dma_wait3A_43 = arith.constant 0 : i32
      %dma_wait3A_44 = tpu.memref_slice %arg4[%add3A_26, %dma_wait3A_43] : memref<8192x768xf32, #tpu.memory_space<hbm>> -> memref<64x768xf32, #tpu.memory_space<hbm>>
      tpu.wait_dma2 semaphore(%run_scoped3A_36 : memref<!tpu.dma_semaphore, #tpu.memory_space<semaphore_mem>>) src(%arg6 : memref<64x768xf32, #tpu.memory_space<vmem>>) dst(%dma_wait3A_44 : memref<64x768xf32, #tpu.memory_space<hbm>>)
      tpu.yield
    }) : () -> ()
    %run_scoped3A_27 = arith.constant 3 : i32
    "tpu.region"() ({
      %run_scoped3A_36 = tpu.sem_alloc : memref<!tpu.dma_semaphore, #tpu.memory_space<semaphore_mem>>
      %dma_start3A_37 = arith.constant 0 : i32
      %dma_start3A_38 = tpu.memref_slice %arg2[%add3A, %run_scoped3A_27, %dma_start3A_37] : memref<32x4x64xi32, #tpu.memory_space<hbm>> -> memref<1x1x64xi32, #tpu.memory_space<hbm>>
      %dma_start3A_39 = tpu.memref_squeeze %dma_start3A_38 : memref<1x1x64xi32, #tpu.memory_space<hbm>> -> memref<64xi32, #tpu.memory_space<hbm>>
      %dma_start3A_40 = arith.constant 0 : i32
      %dma_start3A_41 = tpu.memref_slice %arg2[%add3A, %run_scoped3A_27, %dma_start3A_40] : memref<32x4x64xi32, #tpu.memory_space<hbm>> -> memref<1x1x64xi32, #tpu.memory_space<hbm>>
      %dma_start3A_42 = tpu.memref_squeeze %dma_start3A_41 : memref<1x1x64xi32, #tpu.memory_space<hbm>> -> memref<64xi32, #tpu.memory_space<hbm>>
      tpu.enqueue_dma source(%dma_start3A_42 : memref<64xi32, #tpu.memory_space<hbm>>) target(%arg5 : memref<64xi32, #tpu.memory_space<vmem>>) target_semaphore(%run_scoped3A_36 : memref<!tpu.dma_semaphore, #tpu.memory_space<semaphore_mem>>)
      %dma_wait3A_43 = arith.constant 0 : i32
      %dma_wait3A_44 = tpu.memref_slice %arg2[%add3A, %run_scoped3A_27, %dma_wait3A_43] : memref<32x4x64xi32, #tpu.memory_space<hbm>> -> memref<1x1x64xi32, #tpu.memory_space<hbm>>
      %dma_wait3A_45 = tpu.memref_squeeze %dma_wait3A_44 : memref<1x1x64xi32, #tpu.memory_space<hbm>> -> memref<64xi32, #tpu.memory_space<hbm>>
      %dma_wait3A_46 = arith.constant 0 : i32
      %dma_wait3A_47 = tpu.memref_slice %arg2[%add3A, %run_scoped3A_27, %dma_wait3A_46] : memref<32x4x64xi32, #tpu.memory_space<hbm>> -> memref<1x1x64xi32, #tpu.memory_space<hbm>>
      %dma_wait3A_48 = tpu.memref_squeeze %dma_wait3A_47 : memref<1x1x64xi32, #tpu.memory_space<hbm>> -> memref<64xi32, #tpu.memory_space<hbm>>
      tpu.wait_dma2 semaphore(%run_scoped3A_36 : memref<!tpu.dma_semaphore, #tpu.memory_space<semaphore_mem>>) src(%dma_wait3A_48 : memref<64xi32, #tpu.memory_space<hbm>>) dst(%arg5 : memref<64xi32, #tpu.memory_space<vmem>>)
      tpu.yield
    }) : () -> ()
    %dma_start3A_28 = arith.constant 0 : i32
    %dma_start3A_29 = arith.constant 0 : i32
    %dma_start3A_30 = tpu.memref_slice %arg3[%dma_start3A_28, %dma_start3A_29] : memref<8192x768xf32, #tpu.memory_space<hbm>> -> memref<8192x768xf32, #tpu.memory_space<hbm>>
    tpu.enqueue_indirect_dma source(%dma_start3A_30 : memref<8192x768xf32, #tpu.memory_space<hbm>>) target(%arg6 : memref<64x768xf32, #tpu.memory_space<vmem>>) offsets(%arg5 : memref<64xi32, #tpu.memory_space<vmem>>) semaphore(%arg7 : memref<!tpu.dma_semaphore, #tpu.memory_space<semaphore_mem>>)
    %dma_wait3A_31 = arith.constant 0 : i32
    %dma_wait3A_32 = arith.constant 0 : i32
    %dma_wait3A_33 = tpu.memref_slice %arg3[%dma_wait3A_31, %dma_wait3A_32] : memref<8192x768xf32, #tpu.memory_space<hbm>> -> memref<8192x768xf32, #tpu.memory_space<hbm>>
    tpu.wait_indirect_dma semaphore(%arg7 : memref<!tpu.dma_semaphore, #tpu.memory_space<semaphore_mem>>) src(%dma_wait3A_33 : memref<8192x768xf32, #tpu.memory_space<hbm>>) dst(%arg6 : memref<64x768xf32, #tpu.memory_space<vmem>>)
    %add3A_34 = arith.constant 192 : i32
    %add3A_35 = arith.addi %mul3A_2, %add3A_34 : i32
    "tpu.region"() ({
      %run_scoped3A_36 = tpu.sem_alloc : memref<!tpu.dma_semaphore, #tpu.memory_space<semaphore_mem>>
      %dma_start3A_37 = arith.constant 0 : i32
      %dma_start3A_38 = tpu.memref_slice %arg4[%add3A_35, %dma_start3A_37] : memref<8192x768xf32, #tpu.memory_space<hbm>> -> memref<64x768xf32, #tpu.memory_space<hbm>>
      %dma_start3A_39 = arith.constant 0 : i32
      %dma_start3A_40 = tpu.memref_slice %arg4[%add3A_35, %dma_start3A_39] : memref<8192x768xf32, #tpu.memory_space<hbm>> -> memref<64x768xf32, #tpu.memory_space<hbm>>
      tpu.enqueue_dma source(%arg6 : memref<64x768xf32, #tpu.memory_space<vmem>>) target(%dma_start3A_40 : memref<64x768xf32, #tpu.memory_space<hbm>>) target_semaphore(%run_scoped3A_36 : memref<!tpu.dma_semaphore, #tpu.memory_space<semaphore_mem>>)
      %dma_wait3A_41 = arith.constant 0 : i32
      %dma_wait3A_42 = tpu.memref_slice %arg4[%add3A_35, %dma_wait3A_41] : memref<8192x768xf32, #tpu.memory_space<hbm>> -> memref<64x768xf32, #tpu.memory_space<hbm>>
      %dma_wait3A_43 = arith.constant 0 : i32
      %dma_wait3A_44 = tpu.memref_slice %arg4[%add3A_35, %dma_wait3A_43] : memref<8192x768xf32, #tpu.memory_space<hbm>> -> memref<64x768xf32, #tpu.memory_space<hbm>>
      tpu.wait_dma2 semaphore(%run_scoped3A_36 : memref<!tpu.dma_semaphore, #tpu.memory_space<semaphore_mem>>) src(%arg6 : memref<64x768xf32, #tpu.memory_space<vmem>>) dst(%dma_wait3A_44 : memref<64x768xf32, #tpu.memory_space<hbm>>)
      tpu.yield
    }) : () -> ()
    return
  }
}

module attributes {stable_mosaic.version = 14 : i64} {
  func.func @_moe_tile_kernel(%arg0: i32, %arg1: memref<256x768xf32, #tpu.memory_space<vmem>>, %arg2: memref<768x8xf32, #tpu.memory_space<vmem>>, %arg3: memref<8xf32, #tpu.memory_space<vmem>>, %arg4: memref<8x768x768xf32, #tpu.memory_space<vmem>>, %arg5: memref<8x768xf32, #tpu.memory_space<vmem>>, %arg6: memref<256x768xf32, #tpu.memory_space<vmem>>) attributes {dimension_semantics = [#tpu.dimension_semantics<arbitrary>], iteration_bounds = array<i64: 32>, scalar_prefetch = 0 : i64, scratch_operands = 0 : i64, tpu.core_type = #tpu.core_type<tc>, window_params = [{transform_indices = @transform_0, window_bounds = array<i64: 256, 768>}, {pipeline_mode = #tpu.pipeline_mode<synchronous>, transform_indices = @transform_1, window_bounds = array<i64: 768, 8>}, {pipeline_mode = #tpu.pipeline_mode<synchronous>, transform_indices = @transform_2, window_bounds = array<i64: 8>}, {pipeline_mode = #tpu.pipeline_mode<synchronous>, transform_indices = @transform_3, window_bounds = array<i64: 8, 768, 768>}, {pipeline_mode = #tpu.pipeline_mode<synchronous>, transform_indices = @transform_4, window_bounds = array<i64: 8, 768>}, {transform_indices = @transform_5, window_bounds = array<i64: 256, 768>}]} {
    %get3A = arith.constant 0 : index
    %get3A_0 = arith.constant 0 : index
    %get3A_1 = vector.load %arg1[%get3A, %get3A_0] : memref<256x768xf32, #tpu.memory_space<vmem>>, vector<256x768xf32>
    %get3A_2 = arith.constant 0 : index
    %get3A_3 = arith.constant 0 : index
    %get3A_4 = vector.load %arg2[%get3A_2, %get3A_3] : memref<768x8xf32, #tpu.memory_space<vmem>>, vector<768x8xf32>
    %dot_general3A = arith.constant dense<0.000000e+00> : vector<256x8xf32>
    %dot_general3A_5 = tpu.matmul %get3A_1, %get3A_4, %dot_general3A {dimension_numbers = #tpu.dot_dimension_numbers<[1], [0], [0], [1], [0, 0, 1, 1], [], []>, transpose_lhs_hint = false} : vector<256x768xf32>, vector<768x8xf32>, vector<256x8xf32> -> vector<256x8xf32>
    %get3A_6 = arith.constant 0 : index
    %get3A_7 = vector.load %arg3[%get3A_6] : memref<8xf32, #tpu.memory_space<vmem>>, vector<8xf32>
    %broadcast_in_dim3A = vector.shape_cast %get3A_7 : vector<8xf32> to vector<1x8xf32>
    %add3A = vector.broadcast %broadcast_in_dim3A : vector<1x8xf32> to vector<256x8xf32>
    %add3A_8 = arith.addf %dot_general3A_5, %add3A : vector<256x8xf32>
    %iota3A = tpu.iota {dimensions = array<i32: 1>} : vector<256x8xi32>
    %reduce_max3A = arith.constant dense<0xFF800000> : vector<256xf32>
    %reduce_max3A_9 = vector.multi_reduction <maximumf>, %add3A_8, %reduce_max3A [1] : vector<256x8xf32> to vector<256xf32>
    %broadcast_in_dim3A_10 = vector.shape_cast %reduce_max3A_9 : vector<256xf32> to vector<256x1xf32>
    %eq3A = vector.broadcast %broadcast_in_dim3A_10 : vector<256x1xf32> to vector<256x8xf32>
    %eq3A_11 = arith.cmpf oeq, %add3A_8, %eq3A : vector<256x8xf32>
    %jit3A = arith.constant 8 : i32
    %broadcast_in_dim3A_12 = vector.broadcast %jit3A : i32 to vector<256x8xi32>
    %select_n3A = arith.select %eq3A_11, %iota3A, %broadcast_in_dim3A_12 : vector<256x8xi1>, vector<256x8xi32>
    %reduce_min3A = arith.constant dense<2147483647> : vector<256xi32>
    %reduce_min3A_13 = vector.multi_reduction <minsi>, %select_n3A, %reduce_min3A [1] : vector<256x8xi32> to vector<256xi32>
    %broadcast_in_dim3A_14 = vector.shape_cast %reduce_min3A_13 : vector<256xi32> to vector<256x1xi32>
    %eq3A_15 = vector.broadcast %broadcast_in_dim3A_14 : vector<256x1xi32> to vector<256x8xi32>
    %eq3A_16 = arith.cmpi eq, %iota3A, %eq3A_15 : vector<256x8xi32>
    %jit3A_17 = arith.constant 0xFF800000 : f32
    %broadcast_in_dim3A_18 = vector.broadcast %jit3A_17 : f32 to vector<256x8xf32>
    %select_n3A_19 = arith.select %eq3A_16, %broadcast_in_dim3A_18, %add3A_8 : vector<256x8xi1>, vector<256x8xf32>
    %reduce_max3A_20 = arith.constant dense<0xFF800000> : vector<256xf32>
    %reduce_max3A_21 = vector.multi_reduction <maximumf>, %select_n3A_19, %reduce_max3A_20 [1] : vector<256x8xf32> to vector<256xf32>
    %broadcast_in_dim3A_22 = vector.shape_cast %reduce_max3A_21 : vector<256xf32> to vector<256x1xf32>
    %eq3A_23 = vector.broadcast %broadcast_in_dim3A_22 : vector<256x1xf32> to vector<256x8xf32>
    %eq3A_24 = arith.cmpf oeq, %select_n3A_19, %eq3A_23 : vector<256x8xf32>
    %jit3A_25 = arith.constant 8 : i32
    %broadcast_in_dim3A_26 = vector.broadcast %jit3A_25 : i32 to vector<256x8xi32>
    %select_n3A_27 = arith.select %eq3A_24, %iota3A, %broadcast_in_dim3A_26 : vector<256x8xi1>, vector<256x8xi32>
    %reduce_min3A_28 = arith.constant dense<2147483647> : vector<256xi32>
    %reduce_min3A_29 = vector.multi_reduction <minsi>, %select_n3A_27, %reduce_min3A_28 [1] : vector<256x8xi32> to vector<256xi32>
    %broadcast_in_dim3A_30 = vector.shape_cast %reduce_min3A_29 : vector<256xi32> to vector<256x1xi32>
    %eq3A_31 = vector.broadcast %broadcast_in_dim3A_30 : vector<256x1xi32> to vector<256x8xi32>
    %eq3A_32 = arith.cmpi eq, %iota3A, %eq3A_31 : vector<256x8xi32>
    %sub3A = arith.subf %broadcast_in_dim3A_22, %broadcast_in_dim3A_10 : vector<256x1xf32>
    %exp3A = math.exp %sub3A : vector<256x1xf32>
    %add3A_33 = arith.constant 1.000000e+00 : f32
    %add3A_34 = vector.broadcast %add3A_33 : f32 to vector<256x1xf32>
    %add3A_35 = arith.addf %add3A_34, %exp3A : vector<256x1xf32>
    %div3A = arith.constant 1.000000e+00 : f32
    %div3A_36 = vector.broadcast %div3A : f32 to vector<256x1xf32>
    %div3A_37 = arith.divf %div3A_36, %add3A_35 : vector<256x1xf32>
    %add3A_38 = arith.constant 1.000000e+00 : f32
    %add3A_39 = vector.broadcast %add3A_38 : f32 to vector<256x1xf32>
    %add3A_40 = arith.addf %add3A_39, %exp3A : vector<256x1xf32>
    %div3A_41 = arith.divf %exp3A, %add3A_40 : vector<256x1xf32>
    %convert_element_type3A = arith.extui %eq3A_16 : vector<256x8xi1> to vector<256x8xi32>
    %convert_element_type3A_42 = arith.sitofp %convert_element_type3A : vector<256x8xi32> to vector<256x8xf32>
    %mul3A = vector.broadcast %div3A_37 : vector<256x1xf32> to vector<256x8xf32>
    %mul3A_43 = arith.mulf %mul3A, %convert_element_type3A_42 : vector<256x8xf32>
    %convert_element_type3A_44 = arith.extui %eq3A_32 : vector<256x8xi1> to vector<256x8xi32>
    %convert_element_type3A_45 = arith.sitofp %convert_element_type3A_44 : vector<256x8xi32> to vector<256x8xf32>
    %mul3A_46 = vector.broadcast %div3A_41 : vector<256x1xf32> to vector<256x8xf32>
    %mul3A_47 = arith.mulf %mul3A_46, %convert_element_type3A_45 : vector<256x8xf32>
    %add3A_48 = arith.addf %mul3A_43, %mul3A_47 : vector<256x8xf32>
    %broadcast_in_dim3A_49 = arith.constant 0.000000e+00 : f32
    %broadcast_in_dim3A_50 = vector.broadcast %broadcast_in_dim3A_49 : f32 to vector<256x768xf32>
    %get3A_51 = arith.constant 0 : index
    %get3A_52 = arith.constant 0 : index
    %get3A_53 = arith.constant 0 : index
    %get3A_54 = vector.load %arg4[%get3A_51, %get3A_52, %get3A_53] : memref<8x768x768xf32, #tpu.memory_space<vmem>>, vector<1x768x768xf32>
    %get3A_55 = vector.shape_cast %get3A_54 : vector<1x768x768xf32> to vector<768x768xf32>
    %dot_general3A_56 = arith.constant dense<0.000000e+00> : vector<256x768xf32>
    %dot_general3A_57 = tpu.matmul %get3A_1, %get3A_55, %dot_general3A_56 {dimension_numbers = #tpu.dot_dimension_numbers<[1], [0], [0], [1], [0, 0, 1, 1], [], []>, transpose_lhs_hint = false} : vector<256x768xf32>, vector<768x768xf32>, vector<256x768xf32> -> vector<256x768xf32>
    %get3A_58 = arith.constant 0 : index
    %get3A_59 = arith.constant 0 : index
    %get3A_60 = vector.load %arg5[%get3A_58, %get3A_59] : memref<8x768xf32, #tpu.memory_space<vmem>>, vector<1x768xf32>
    %get3A_61 = vector.shape_cast %get3A_60 : vector<1x768xf32> to vector<768xf32>
    %broadcast_in_dim3A_62 = vector.shape_cast %get3A_61 : vector<768xf32> to vector<1x768xf32>
    %add3A_63 = vector.broadcast %broadcast_in_dim3A_62 : vector<1x768xf32> to vector<256x768xf32>
    %add3A_64 = arith.addf %dot_general3A_57, %add3A_63 : vector<256x768xf32>
    %slice3A = vector.extract_strided_slice %add3A_48 {offsets = [0, 0], sizes = [256, 1], strides = [1, 1]} : vector<256x8xf32> to vector<256x1xf32>
    %squeeze3A = vector.shape_cast %slice3A : vector<256x1xf32> to vector<256xf32>
    %broadcast_in_dim3A_65 = vector.shape_cast %squeeze3A : vector<256xf32> to vector<256x1xf32>
    %mul3A_66 = vector.broadcast %broadcast_in_dim3A_65 : vector<256x1xf32> to vector<256x768xf32>
    %mul3A_67 = arith.mulf %mul3A_66, %add3A_64 : vector<256x768xf32>
    %add3A_68 = arith.addf %broadcast_in_dim3A_50, %mul3A_67 : vector<256x768xf32>
    %get3A_69 = arith.constant 1 : index
    %get3A_70 = arith.constant 0 : index
    %get3A_71 = arith.constant 0 : index
    %get3A_72 = vector.load %arg4[%get3A_69, %get3A_70, %get3A_71] : memref<8x768x768xf32, #tpu.memory_space<vmem>>, vector<1x768x768xf32>
    %get3A_73 = vector.shape_cast %get3A_72 : vector<1x768x768xf32> to vector<768x768xf32>
    %dot_general3A_74 = arith.constant dense<0.000000e+00> : vector<256x768xf32>
    %dot_general3A_75 = tpu.matmul %get3A_1, %get3A_73, %dot_general3A_74 {dimension_numbers = #tpu.dot_dimension_numbers<[1], [0], [0], [1], [0, 0, 1, 1], [], []>, transpose_lhs_hint = false} : vector<256x768xf32>, vector<768x768xf32>, vector<256x768xf32> -> vector<256x768xf32>
    %get3A_76 = arith.constant 1 : index
    %get3A_77 = arith.constant 0 : index
    %get3A_78 = vector.load %arg5[%get3A_76, %get3A_77] : memref<8x768xf32, #tpu.memory_space<vmem>>, vector<1x768xf32>
    %get3A_79 = vector.shape_cast %get3A_78 : vector<1x768xf32> to vector<768xf32>
    %broadcast_in_dim3A_80 = vector.shape_cast %get3A_79 : vector<768xf32> to vector<1x768xf32>
    %add3A_81 = vector.broadcast %broadcast_in_dim3A_80 : vector<1x768xf32> to vector<256x768xf32>
    %add3A_82 = arith.addf %dot_general3A_75, %add3A_81 : vector<256x768xf32>
    %slice3A_83 = vector.extract_strided_slice %add3A_48 {offsets = [0, 1], sizes = [256, 1], strides = [1, 1]} : vector<256x8xf32> to vector<256x1xf32>
    %squeeze3A_84 = vector.shape_cast %slice3A_83 : vector<256x1xf32> to vector<256xf32>
    %broadcast_in_dim3A_85 = vector.shape_cast %squeeze3A_84 : vector<256xf32> to vector<256x1xf32>
    %mul3A_86 = vector.broadcast %broadcast_in_dim3A_85 : vector<256x1xf32> to vector<256x768xf32>
    %mul3A_87 = arith.mulf %mul3A_86, %add3A_82 : vector<256x768xf32>
    %add3A_88 = arith.addf %add3A_68, %mul3A_87 : vector<256x768xf32>
    %get3A_89 = arith.constant 2 : index
    %get3A_90 = arith.constant 0 : index
    %get3A_91 = arith.constant 0 : index
    %get3A_92 = vector.load %arg4[%get3A_89, %get3A_90, %get3A_91] : memref<8x768x768xf32, #tpu.memory_space<vmem>>, vector<1x768x768xf32>
    %get3A_93 = vector.shape_cast %get3A_92 : vector<1x768x768xf32> to vector<768x768xf32>
    %dot_general3A_94 = arith.constant dense<0.000000e+00> : vector<256x768xf32>
    %dot_general3A_95 = tpu.matmul %get3A_1, %get3A_93, %dot_general3A_94 {dimension_numbers = #tpu.dot_dimension_numbers<[1], [0], [0], [1], [0, 0, 1, 1], [], []>, transpose_lhs_hint = false} : vector<256x768xf32>, vector<768x768xf32>, vector<256x768xf32> -> vector<256x768xf32>
    %get3A_96 = arith.constant 2 : index
    %get3A_97 = arith.constant 0 : index
    %get3A_98 = vector.load %arg5[%get3A_96, %get3A_97] : memref<8x768xf32, #tpu.memory_space<vmem>>, vector<1x768xf32>
    %get3A_99 = vector.shape_cast %get3A_98 : vector<1x768xf32> to vector<768xf32>
    %broadcast_in_dim3A_100 = vector.shape_cast %get3A_99 : vector<768xf32> to vector<1x768xf32>
    %add3A_101 = vector.broadcast %broadcast_in_dim3A_100 : vector<1x768xf32> to vector<256x768xf32>
    %add3A_102 = arith.addf %dot_general3A_95, %add3A_101 : vector<256x768xf32>
    %slice3A_103 = vector.extract_strided_slice %add3A_48 {offsets = [0, 2], sizes = [256, 1], strides = [1, 1]} : vector<256x8xf32> to vector<256x1xf32>
    %squeeze3A_104 = vector.shape_cast %slice3A_103 : vector<256x1xf32> to vector<256xf32>
    %broadcast_in_dim3A_105 = vector.shape_cast %squeeze3A_104 : vector<256xf32> to vector<256x1xf32>
    %mul3A_106 = vector.broadcast %broadcast_in_dim3A_105 : vector<256x1xf32> to vector<256x768xf32>
    %mul3A_107 = arith.mulf %mul3A_106, %add3A_102 : vector<256x768xf32>
    %add3A_108 = arith.addf %add3A_88, %mul3A_107 : vector<256x768xf32>
    %get3A_109 = arith.constant 3 : index
    %get3A_110 = arith.constant 0 : index
    %get3A_111 = arith.constant 0 : index
    %get3A_112 = vector.load %arg4[%get3A_109, %get3A_110, %get3A_111] : memref<8x768x768xf32, #tpu.memory_space<vmem>>, vector<1x768x768xf32>
    %get3A_113 = vector.shape_cast %get3A_112 : vector<1x768x768xf32> to vector<768x768xf32>
    %dot_general3A_114 = arith.constant dense<0.000000e+00> : vector<256x768xf32>
    %dot_general3A_115 = tpu.matmul %get3A_1, %get3A_113, %dot_general3A_114 {dimension_numbers = #tpu.dot_dimension_numbers<[1], [0], [0], [1], [0, 0, 1, 1], [], []>, transpose_lhs_hint = false} : vector<256x768xf32>, vector<768x768xf32>, vector<256x768xf32> -> vector<256x768xf32>
    %get3A_116 = arith.constant 3 : index
    %get3A_117 = arith.constant 0 : index
    %get3A_118 = vector.load %arg5[%get3A_116, %get3A_117] : memref<8x768xf32, #tpu.memory_space<vmem>>, vector<1x768xf32>
    %get3A_119 = vector.shape_cast %get3A_118 : vector<1x768xf32> to vector<768xf32>
    %broadcast_in_dim3A_120 = vector.shape_cast %get3A_119 : vector<768xf32> to vector<1x768xf32>
    %add3A_121 = vector.broadcast %broadcast_in_dim3A_120 : vector<1x768xf32> to vector<256x768xf32>
    %add3A_122 = arith.addf %dot_general3A_115, %add3A_121 : vector<256x768xf32>
    %slice3A_123 = vector.extract_strided_slice %add3A_48 {offsets = [0, 3], sizes = [256, 1], strides = [1, 1]} : vector<256x8xf32> to vector<256x1xf32>
    %squeeze3A_124 = vector.shape_cast %slice3A_123 : vector<256x1xf32> to vector<256xf32>
    %broadcast_in_dim3A_125 = vector.shape_cast %squeeze3A_124 : vector<256xf32> to vector<256x1xf32>
    %mul3A_126 = vector.broadcast %broadcast_in_dim3A_125 : vector<256x1xf32> to vector<256x768xf32>
    %mul3A_127 = arith.mulf %mul3A_126, %add3A_122 : vector<256x768xf32>
    %add3A_128 = arith.addf %add3A_108, %mul3A_127 : vector<256x768xf32>
    %get3A_129 = arith.constant 4 : index
    %get3A_130 = arith.constant 0 : index
    %get3A_131 = arith.constant 0 : index
    %get3A_132 = vector.load %arg4[%get3A_129, %get3A_130, %get3A_131] : memref<8x768x768xf32, #tpu.memory_space<vmem>>, vector<1x768x768xf32>
    %get3A_133 = vector.shape_cast %get3A_132 : vector<1x768x768xf32> to vector<768x768xf32>
    %dot_general3A_134 = arith.constant dense<0.000000e+00> : vector<256x768xf32>
    %dot_general3A_135 = tpu.matmul %get3A_1, %get3A_133, %dot_general3A_134 {dimension_numbers = #tpu.dot_dimension_numbers<[1], [0], [0], [1], [0, 0, 1, 1], [], []>, transpose_lhs_hint = false} : vector<256x768xf32>, vector<768x768xf32>, vector<256x768xf32> -> vector<256x768xf32>
    %get3A_136 = arith.constant 4 : index
    %get3A_137 = arith.constant 0 : index
    %get3A_138 = vector.load %arg5[%get3A_136, %get3A_137] : memref<8x768xf32, #tpu.memory_space<vmem>>, vector<1x768xf32>
    %get3A_139 = vector.shape_cast %get3A_138 : vector<1x768xf32> to vector<768xf32>
    %broadcast_in_dim3A_140 = vector.shape_cast %get3A_139 : vector<768xf32> to vector<1x768xf32>
    %add3A_141 = vector.broadcast %broadcast_in_dim3A_140 : vector<1x768xf32> to vector<256x768xf32>
    %add3A_142 = arith.addf %dot_general3A_135, %add3A_141 : vector<256x768xf32>
    %slice3A_143 = vector.extract_strided_slice %add3A_48 {offsets = [0, 4], sizes = [256, 1], strides = [1, 1]} : vector<256x8xf32> to vector<256x1xf32>
    %squeeze3A_144 = vector.shape_cast %slice3A_143 : vector<256x1xf32> to vector<256xf32>
    %broadcast_in_dim3A_145 = vector.shape_cast %squeeze3A_144 : vector<256xf32> to vector<256x1xf32>
    %mul3A_146 = vector.broadcast %broadcast_in_dim3A_145 : vector<256x1xf32> to vector<256x768xf32>
    %mul3A_147 = arith.mulf %mul3A_146, %add3A_142 : vector<256x768xf32>
    %add3A_148 = arith.addf %add3A_128, %mul3A_147 : vector<256x768xf32>
    %get3A_149 = arith.constant 5 : index
    %get3A_150 = arith.constant 0 : index
    %get3A_151 = arith.constant 0 : index
    %get3A_152 = vector.load %arg4[%get3A_149, %get3A_150, %get3A_151] : memref<8x768x768xf32, #tpu.memory_space<vmem>>, vector<1x768x768xf32>
    %get3A_153 = vector.shape_cast %get3A_152 : vector<1x768x768xf32> to vector<768x768xf32>
    %dot_general3A_154 = arith.constant dense<0.000000e+00> : vector<256x768xf32>
    %dot_general3A_155 = tpu.matmul %get3A_1, %get3A_153, %dot_general3A_154 {dimension_numbers = #tpu.dot_dimension_numbers<[1], [0], [0], [1], [0, 0, 1, 1], [], []>, transpose_lhs_hint = false} : vector<256x768xf32>, vector<768x768xf32>, vector<256x768xf32> -> vector<256x768xf32>
    %get3A_156 = arith.constant 5 : index
    %get3A_157 = arith.constant 0 : index
    %get3A_158 = vector.load %arg5[%get3A_156, %get3A_157] : memref<8x768xf32, #tpu.memory_space<vmem>>, vector<1x768xf32>
    %get3A_159 = vector.shape_cast %get3A_158 : vector<1x768xf32> to vector<768xf32>
    %broadcast_in_dim3A_160 = vector.shape_cast %get3A_159 : vector<768xf32> to vector<1x768xf32>
    %add3A_161 = vector.broadcast %broadcast_in_dim3A_160 : vector<1x768xf32> to vector<256x768xf32>
    %add3A_162 = arith.addf %dot_general3A_155, %add3A_161 : vector<256x768xf32>
    %slice3A_163 = vector.extract_strided_slice %add3A_48 {offsets = [0, 5], sizes = [256, 1], strides = [1, 1]} : vector<256x8xf32> to vector<256x1xf32>
    %squeeze3A_164 = vector.shape_cast %slice3A_163 : vector<256x1xf32> to vector<256xf32>
    %broadcast_in_dim3A_165 = vector.shape_cast %squeeze3A_164 : vector<256xf32> to vector<256x1xf32>
    %mul3A_166 = vector.broadcast %broadcast_in_dim3A_165 : vector<256x1xf32> to vector<256x768xf32>
    %mul3A_167 = arith.mulf %mul3A_166, %add3A_162 : vector<256x768xf32>
    %add3A_168 = arith.addf %add3A_148, %mul3A_167 : vector<256x768xf32>
    %get3A_169 = arith.constant 6 : index
    %get3A_170 = arith.constant 0 : index
    %get3A_171 = arith.constant 0 : index
    %get3A_172 = vector.load %arg4[%get3A_169, %get3A_170, %get3A_171] : memref<8x768x768xf32, #tpu.memory_space<vmem>>, vector<1x768x768xf32>
    %get3A_173 = vector.shape_cast %get3A_172 : vector<1x768x768xf32> to vector<768x768xf32>
    %dot_general3A_174 = arith.constant dense<0.000000e+00> : vector<256x768xf32>
    %dot_general3A_175 = tpu.matmul %get3A_1, %get3A_173, %dot_general3A_174 {dimension_numbers = #tpu.dot_dimension_numbers<[1], [0], [0], [1], [0, 0, 1, 1], [], []>, transpose_lhs_hint = false} : vector<256x768xf32>, vector<768x768xf32>, vector<256x768xf32> -> vector<256x768xf32>
    %get3A_176 = arith.constant 6 : index
    %get3A_177 = arith.constant 0 : index
    %get3A_178 = vector.load %arg5[%get3A_176, %get3A_177] : memref<8x768xf32, #tpu.memory_space<vmem>>, vector<1x768xf32>
    %get3A_179 = vector.shape_cast %get3A_178 : vector<1x768xf32> to vector<768xf32>
    %broadcast_in_dim3A_180 = vector.shape_cast %get3A_179 : vector<768xf32> to vector<1x768xf32>
    %add3A_181 = vector.broadcast %broadcast_in_dim3A_180 : vector<1x768xf32> to vector<256x768xf32>
    %add3A_182 = arith.addf %dot_general3A_175, %add3A_181 : vector<256x768xf32>
    %slice3A_183 = vector.extract_strided_slice %add3A_48 {offsets = [0, 6], sizes = [256, 1], strides = [1, 1]} : vector<256x8xf32> to vector<256x1xf32>
    %squeeze3A_184 = vector.shape_cast %slice3A_183 : vector<256x1xf32> to vector<256xf32>
    %broadcast_in_dim3A_185 = vector.shape_cast %squeeze3A_184 : vector<256xf32> to vector<256x1xf32>
    %mul3A_186 = vector.broadcast %broadcast_in_dim3A_185 : vector<256x1xf32> to vector<256x768xf32>
    %mul3A_187 = arith.mulf %mul3A_186, %add3A_182 : vector<256x768xf32>
    %add3A_188 = arith.addf %add3A_168, %mul3A_187 : vector<256x768xf32>
    %get3A_189 = arith.constant 7 : index
    %get3A_190 = arith.constant 0 : index
    %get3A_191 = arith.constant 0 : index
    %get3A_192 = vector.load %arg4[%get3A_189, %get3A_190, %get3A_191] : memref<8x768x768xf32, #tpu.memory_space<vmem>>, vector<1x768x768xf32>
    %get3A_193 = vector.shape_cast %get3A_192 : vector<1x768x768xf32> to vector<768x768xf32>
    %dot_general3A_194 = arith.constant dense<0.000000e+00> : vector<256x768xf32>
    %dot_general3A_195 = tpu.matmul %get3A_1, %get3A_193, %dot_general3A_194 {dimension_numbers = #tpu.dot_dimension_numbers<[1], [0], [0], [1], [0, 0, 1, 1], [], []>, transpose_lhs_hint = false} : vector<256x768xf32>, vector<768x768xf32>, vector<256x768xf32> -> vector<256x768xf32>
    %get3A_196 = arith.constant 7 : index
    %get3A_197 = arith.constant 0 : index
    %get3A_198 = vector.load %arg5[%get3A_196, %get3A_197] : memref<8x768xf32, #tpu.memory_space<vmem>>, vector<1x768xf32>
    %get3A_199 = vector.shape_cast %get3A_198 : vector<1x768xf32> to vector<768xf32>
    %broadcast_in_dim3A_200 = vector.shape_cast %get3A_199 : vector<768xf32> to vector<1x768xf32>
    %add3A_201 = vector.broadcast %broadcast_in_dim3A_200 : vector<1x768xf32> to vector<256x768xf32>
    %add3A_202 = arith.addf %dot_general3A_195, %add3A_201 : vector<256x768xf32>
    %slice3A_203 = vector.extract_strided_slice %add3A_48 {offsets = [0, 7], sizes = [256, 1], strides = [1, 1]} : vector<256x8xf32> to vector<256x1xf32>
    %squeeze3A_204 = vector.shape_cast %slice3A_203 : vector<256x1xf32> to vector<256xf32>
    %broadcast_in_dim3A_205 = vector.shape_cast %squeeze3A_204 : vector<256xf32> to vector<256x1xf32>
    %mul3A_206 = vector.broadcast %broadcast_in_dim3A_205 : vector<256x1xf32> to vector<256x768xf32>
    %mul3A_207 = arith.mulf %mul3A_206, %add3A_202 : vector<256x768xf32>
    %add3A_208 = arith.addf %add3A_188, %mul3A_207 : vector<256x768xf32>
    %swap3A = arith.constant 0 : index
    %swap3A_209 = arith.constant 0 : index
    %swap3A_210 = vector.load %arg6[%swap3A, %swap3A_209] : memref<256x768xf32, #tpu.memory_space<vmem>>, vector<256x768xf32>
    tpu.vector_store %arg6[%swap3A, %swap3A_209], %add3A_208 {strides = array<i32>} : memref<256x768xf32, #tpu.memory_space<vmem>>, vector<256x768xf32>,
    return
  }
  func.func @transform_0(%arg0: i32) -> (i32, i32) {
    %c0_i32 = arith.constant 0 : i32
    %c0_i32_0 = arith.constant 0 : i32
    return %arg0, %c0_i32 : i32, i32
  }
  func.func @transform_1(%arg0: i32) -> (i32, i32) {
    %c0_i32 = arith.constant 0 : i32
    %c0_i32_0 = arith.constant 0 : i32
    %c0_i32_1 = arith.constant 0 : i32
    return %c0_i32, %c0_i32_0 : i32, i32
  }
  func.func @transform_2(%arg0: i32) -> i32 {
    %c0_i32 = arith.constant 0 : i32
    %c0_i32_0 = arith.constant 0 : i32
    return %c0_i32 : i32
  }
  func.func @transform_3(%arg0: i32) -> (i32, i32, i32) {
    %c0_i32 = arith.constant 0 : i32
    %c0_i32_0 = arith.constant 0 : i32
    %c0_i32_1 = arith.constant 0 : i32
    %c0_i32_2 = arith.constant 0 : i32
    return %c0_i32, %c0_i32_0, %c0_i32_1 : i32, i32, i32
  }
  func.func @transform_4(%arg0: i32) -> (i32, i32) {
    %c0_i32 = arith.constant 0 : i32
    %c0_i32_0 = arith.constant 0 : i32
    %c0_i32_1 = arith.constant 0 : i32
    return %c0_i32, %c0_i32_0 : i32, i32
  }
  func.func @transform_5(%arg0: i32) -> (i32, i32) {
    %c0_i32 = arith.constant 0 : i32
    %c0_i32_0 = arith.constant 0 : i32
    return %arg0, %c0_i32 : i32, i32
  }
}

</mosaic_0001>

<sc_bundles>
// kernel: kernel.4.cloned.1.call-start
scs
__scs_entry_jumppad:
0x0: {  	(pc) =	sbr.rel $0x88, $3  }
0x1: {  	(tag) =	ssettag $0x0;
	lr =	simm.s32 $0x1  }
0x2: {  	[smem:$0x3F9C] =	sst lr;
	_ =	strace $0xD0000000  }
0x3: {  	_ = 	snop  }
0x4: {  	_ = 	snop  }
0x5: {  	_ = 	snop  }
0x6: {  	_ = 	snop  }
0x7: {  	_ = 	snop  }
__scs_overlays_trampoline_lowered:
0x8: {  	[smem:$0x3FAB] =	sst s0  }
0x9: {  	[smem:$0x3FAC] =	sst s1  }
0xa: {  	[smem:$0x3FAD] =	sst s2  }
0xb: {  	[smem:$0x3FAE] =	sst s3  }
0xc: {  	[smem:$0x3FAF] =	sst s4  }
0xd: {  	[smem:$0x3FB0] =	sst s5  }
0xe: {  	[smem:$0x3FB1] =	sst s6  }
0xf: {  	[smem:$0x3FB2] =	sst s7  }
0x10: {  	[smem:$0x3FB3] =	sst s8  }
0x11: {  	[smem:$0x3FB4] =	sst s9;
	s0 =	simm.s32 @!p0 $0x0  }
0x12: {  	s1 =	sld [smem:$0x3F9A];
	s0 =	simm.s32 @p0 $0x1  }
0x13: {  	[smem:$0x3FB5] =	sst s0;
	s0 =	simm.s32 @!p1 $0x0  }
0x14: {  	s2 =	sld [smem:$0x3F99];
	s0 =	simm.s32 @p1 $0x1  }
0x15: {  	[smem:$0x3FB6] =	sst s0;
	s0 =	simm.s32 @!p2 $0x0  }
0x16: {  	s3 =	sld [smem:$0x3FDB];
	s0 =	simm.s32 @p2 $0x1  }
0x17: {  	s4 =	simm.s32 $0x1BF5;
	[smem:$0x3FB8] =	sst s0  }
0x18: {  	s0 =	sld [smem:$0x3F9B];
	_ =	swait.ge [sflag:s4], $0x0  }
0x19: {  	s7 =	sld [smem:$0x3F9C]  }
0x1a: {  	s8 =	sadd.s32 $0xFFFFE003, lr  }
0x1b: {  	s9 =	sadd.s32 $0xFFFFFEF7, lr;
	s5 =	simm.s32 $0xFFFFFFFF;
	p2 =	slt.u32 s8, $0xFFFFF086  }
0x1c: {  	p1 =	slt.u32 s9, $0xF7A;
	s5 =	simm.s32 @!p2 $0x0  }
0x1d: {  	s5 =	simm.s32 @p1 $0x1;
	p0 =	seq.s32 s7, s2  }
0x1e: {  	s7 =	smul.u32 @!p0 $0xF7A, s2;
	p2 =	seq.s32 @!p0 s5, $0x0  }
0x1f: {  	s9 =	smul.u32 $0xF7A, s1;
	s8 =	simm.s32 @!p0 $0x1BF5;
	p2 =	por !p2, p0  }
0x20: {  	[sflag:s8] =	ssyncset.s32 @!p0 $0xFFFFF086;
	s6 =	sadd.s32 @!p0 s3, s7;
	s7 =	simm.s32 @!p0 $0x108  }
0x21: {  	s3 =	sadd.s32 s3, s9;
	s6 =	sadd.s32 @!p0 $0x88, s6;
	s7 =	simm.s32 @p2 $0x1082  }
0x22: {  	[simem:s7], [sflag:s8] =	dma.local @!p0 [hbm:s6], $0xF7A  }
0x23: {  	s9 =	sor.u32 $0xD0000000, s2;
	s6 =	simm.s32 $0x108;
	_ =	swait.ge @!p0 [sflag:s8], $0x0  }
0x24: {  	s3 =	sadd.s32 $0x88, s3;
	s6 =	simm.s32 @!p1 $0x1082;
	[sflag:s4] =	ssyncset.s32 $0xFFFFF086  }
0x25: {  	[simem:s6], [sflag:s4] =	dma.local [hbm:s3], $0xF7A  }
0x26: {  	[smem:$0x3F9C] =	sst s1;
	(tag) =	ssettag s2;
	_ =	strace s9  }
0x27: {  	s1 =	sld [smem:$0x3FAC]  }
0x28: {  	s2 =	sld [smem:$0x3FAD]  }
0x29: {  	s4 =	sld [smem:$0x3FAF]  }
0x2a: {  	p0 =	seq.s32 s5, $0x0;
	s5 =	sld [smem:$0x3FB0]  }
0x2b: {  	s6 =	sld [smem:$0x3FB1]  }
0x2c: {  	s7 =	sld [smem:$0x3FB2]  }
0x2d: {  	s3 =	simm.s32 $0x108;
	s8 =	sld [smem:$0x3FB3]  }
0x2e: {  	s3 =	simm.s32 @!p0 $0x1082;
	s9 =	sld [smem:$0x3FB4]  }
0x2f: {  	lr =	sadd.s32 s0, s3;
	s0 =	sld [smem:$0x3FAB]  }
0x30: {  	s3 =	sld [smem:$0x3FAE]  }
0x31: {  	[smem:$0x3FB7] =	sst s10  }
0x32: {  	s10 =	sld [smem:$0x3FB5];
	_ =	sdelay $0x3  }
0x33: {  	p0 =	seq.s32 s10, $0x1;
	s10 =	sld [smem:$0x3FB7];
	_ =	sdelay $0x3  }
0x34: {  	[smem:$0x3FB7] =	sst s10  }
0x35: {  	s10 =	sld [smem:$0x3FB6];
	_ =	sdelay $0x3  }
0x36: {  	p1 =	seq.s32 s10, $0x1;
	s10 =	sld [smem:$0x3FB7];
	_ =	sdelay $0x3  }
0x37: {  	[smem:$0x3FB7] =	sst s10  }
0x38: {  	s10 =	sld [smem:$0x3FB8]  }
0x39: {  	_ = 	snop;
	(pc) =	sbr.ind lr, $3  }
0x3a: {  	_ = 	snop  }
0x3b: {  	_ = 	snop  }
0x3c: {  	p2 =	seq.s32 s10, $0x1;
	s10 =	sld [smem:$0x3FB7]  }
0x3d: {  	_ =	shalt  }
0x3e: {  	_ =	shalt  }
0x3f: {  	_ =	shalt  }
0x40: {  	_ =	shalt  }
0x41: {  	_ =	shalt  }
0x42: {  	_ =	shalt  }
0x43: {  	_ =	shalt  }
0x44: {  	_ =	shalt  }
0x45: {  	_ =	shalt  }
0x46: {  	_ =	shalt  }
0x47: {  	_ =	shalt  }
0x48: {  	_ =	shalt  }
0x49: {  	_ =	shalt  }
0x4a: {  	_ =	shalt  }
0x4b: {  	_ =	shalt  }
0x4c: {  	_ =	shalt  }
0x4d: {  	_ =	shalt  }
0x4e: {  	_ =	shalt  }
0x4f: {  	_ =	shalt  }
0x50: {  	_ =	shalt  }
0x51: {  	_ =	shalt  }
0x52: {  	_ =	shalt  }
0x53: {  	_ =	shalt  }
0x54: {  	_ =	shalt  }
0x55: {  	_ =	shalt  }
0x56: {  	_ =	shalt  }
0x57: {  	_ =	shalt  }
0x58: {  	_ =	shalt  }
0x59: {  	_ =	shalt  }
0x5a: {  	_ =	shalt  }
0x5b: {  	_ =	shalt  }
0x5c: {  	_ =	shalt  }
0x5d: {  	_ =	shalt  }
0x5e: {  	_ =	shalt  }
0x5f: {  	_ =	shalt  }
0x60: {  	_ =	shalt  }
0x61: {  	_ =	shalt  }
0x62: {  	_ =	shalt  }
0x63: {  	_ =	shalt  }
0x64: {  	_ =	shalt  }
0x65: {  	_ =	shalt  }
0x66: {  	_ =	shalt  }
0x67: {  	_ =	shalt  }
0x68: {  	_ =	shalt  }
0x69: {  	_ =	shalt  }
0x6a: {  	_ =	shalt  }
0x6b: {  	_ =	shalt  }
0x6c: {  	_ =	shalt  }
0x6d: {  	_ =	shalt  }
0x6e: {  	_ =	shalt  }
0x6f: {  	_ =	shalt  }
0x70: {  	_ =	shalt  }
0x71: {  	_ =	shalt  }
0x72: {  	_ =	shalt  }
0x73: {  	_ =	shalt  }
0x74: {  	_ =	shalt  }
0x75: {  	_ =	shalt  }
0x76: {  	_ =	shalt  }
0x77: {  	_ =	shalt  }
0x78: {  	_ =	shalt  }
0x79: {  	_ =	shalt  }
0x7a: {  	_ =	shalt  }
0x7b: {  	_ =	shalt  }
0x7c: {  	_ =	shalt  }
0x7d: {  	_ =	shalt  }
0x7e: {  	_ =	shalt  }
0x7f: {  	_ =	shalt  }
0x80: {  	_ =	shalt  }
0x81: {  	_ =	shalt  }
0x82: {  	_ =	shalt  }
0x83: {  	_ =	shalt  }
0x84: {  	_ =	shalt  }
0x85: {  	_ =	shalt  }
0x86: {  	_ =	shalt  }
0x87: {  	_ =	shalt  }
.Lfunc_end0:
.L_simem_size_0:
called_computation_lowered:
.L_overlay_start_0:
0x88: {  	s2 =	sld [smem:$0x3FD9]  }
0x89: {  	s3 =	sld [smem:$0x3FFE];
	_ =	sdelay $0x1  }
0x8a: {  	s1 =	srdreg.scid  }
0x8b: {  	s0 =	sand.u32 $0x1, s1  }
0x8c: {  	s17 =	sshll.u32 s0, $0xA;
	s2 =	sadd.s32 s3, s2  }
0x8d: {  	s2 =	sadd.s32 s2, s17  }
0x8e: {  	[smem:$0x3FC3] =	sst s2  }
0x8f: {  	_ = 	snop  }
0x90: {  	s2 =	sld [smem:$0x3FC9]  }
0x91: {  	s18 =	sld [smem:$0x3FD0];
	(tm) =	ssettm $0x1  }
0x92: {  	s4 =	sld [smem:$0x3FFB];
	_ =	sdelay $0x3  }
0x93: {  	_ =	strace s4  }
0x94: {  	s4 =	sld [smem:$0x3FFC];
	_ =	sdelay $0x3  }
0x95: {  	_ =	strace s4  }
0x96: {  	s4 =	sld [smem:$0x3FFD];
	_ =	sdelay $0x3  }
0x97: {  	_ =	strace s4  }
0x98: {  	_ =	strace $0x8FFFFFFF  }
0x99: {  	s19 =	sld [smem:$0x3FDB];
	_ =	sdelay $0x1  }
0x9a: {  	s5 =	simm.s32 $_scs_section_size  }
0x9b: {  	s6 =	simm.s32 $_size__tile_overlayer_lowered;
	s7 =	simm.s32 $_tile_overlayer_lowered  }
0x9c: {  	s22 =	simm.s32 $0x1BFF;
	s21 =	sshll.u32 s7, $0x1;
	s4 =	sadd.s32 s5, s19  }
0x9d: {  	s8 =	simm.s32 $0x0;
	s20 =	sshll.u32 s6, $0x1;
	s6 =	sadd.s32 s21, s4  }
0x9e: {  	[timem:s8], [sflag:s22] =	dma.local [hbm:s6], s20  }
0x9f: {  	_ =	swait.ge [sflag:s22], s20  }
0xa0: {  	s5 =	ssub.s32 $0x0, s20;
	[sflag:s22] =	ssyncset.done $0x0  }
0xa1: {  	[sflag:s22] =	ssyncadd.s32 s5;
	_ =	sdelay $0x1  }
0xa2: {  	s23 =	simm.s32 $0x1B8B  }
0xa3: {  	_ =	swait.ge [sflag:s23], $0x1  }
0xa4: {  	[sflag:s23] =	ssyncset.done $0x0  }
0xa5: {  	s25 =	simm.s32 $0x1B8E;
	s24 =	sld [smem:$0x3FFE];
	[sflag:s23] =	ssyncadd.s32 $0xFFFFFFFF  }
0xa6: {  	s26 =	simm.s32 $execute0_lowered;
	[smem:$0x3FD2] =	sst s25  }
0xa7: {  	s6 =	sshll.u32 s26, $0x1;
	_ =	strace $0x80000046;
	[dreg:$0x1] =	wrdreg $0xFFFFFFFF  }
0xa8: {  	s28 =	simm.s32 $_size_execute0_lowered;
	s4 =	sadd.s32 s4, s6;
	[dreg:$0x0] =	wrdreg $0x0  }
0xa9: {  	s6 =	sshll.u32 s28, $0x1;
	[dreg:$0x2] =	wrdreg s4  }
0xaa: {  	[dreg:$0x3] =	wrdreg s6  }
0xab: {  	[dreg:$0x4] =	wrdreg $0xC0  }
0xac: {  	_ =	task [dreg:s8], $0x5FFFF  }
0xad: {  	[dreg:$0x1] =	wrdreg $0xFFFFFFFF  }
0xae: {  	[dreg:$0x0] =	wrdreg $0x60  }
0xaf: {  	[dreg:$0x2] =	wrdreg s18  }
0xb0: {  	[dreg:$0x3] =	wrdreg s2  }
0xb1: {  	[dreg:$0x4] =	wrdreg s24  }
0xb2: {  	[dreg:$0x5] =	wrdreg $0x9  }
0xb3: {  	_ =	task.clear_ibuf [dreg:s8], $0x6FFFF;
	_ =	strace $0x90000046  }
0xb4: {  	s29 =	simm.s32 $0x9;
	_ =	strace $0x80000048  }
0xb5: {  	_ =	swait.ge [sflag:s29], $0x1  }
0xb6: {  	[sflag:s29] =	ssyncadd.s32 $0xFFFFFFFF  }
0xb7: {  	_ =	strace $0x90000048  }
0xb8: {  	_ =	sfence  }
0xb9: {  	s30 =	sld [smem:$0x0];
	_ =	sdelay $0x2  }
0xba: {  	s31 =	sshll.u32 s1, $0xD;
	s1 =	sshrl.u32 s1, $0x2  }
0xbb: {  	s3 =	sand.u32 $0x4000, s31;
	s1 =	sadd.s32 s1, s30  }
0xbc: {  	s0 =	sor.u32 s3, s0;
	s1 =	sshll.u32 s1, $0x11  }
0xbd: {  	s0 =	sor.u32 s1, s0  }
0xbe: {  	s0 =	sadd.s32 $0x8F2B, s0  }
0xbf: {  	[sflag:s0] =	ssyncadd.remote.s32 $0x1  }
0xc0: {  	_ =	sfence.sel $0xFFFF  }
0xc1: {  	[dreg:$0x0] =	wrdreg $0xFFFFFFFF;
	(pc) =	sbr.abs _section_cstart, $3  }
0xc2: {  	[dreg:$0x1] =	wrdreg $0xFFFFFFFF  }
0xc3: {  	_ =	task.clear_ibuf [dreg:s8], $0x2FFFF;
	_ =	strace $0x9FFFFFFF  }
0xc4: {  	(tm) =	ssettm $0x7FFFFFFF  }
0xc5: {  	_ =	shalt  }
tec
execute0_lowered:
.L_overlay_start_1:
0x0: {  	(tag) =	ssettag $0x1  }
0x1: {  	s0 =	rddreg [dreg:$0x0]  }
0x2: {  	s2 =	rddreg [dreg:$0x1];
	s1 =	srdreg.scid  }
0x3: {  	s3 =	stileid.u32;
	s4 =	rddreg [dreg:$0x2];
	s9 =	simm.s32 $0x2  }
0x4: {  	s30 =	simm.s32 $0x80;
	s1 =	sand.u32 $0x1, s1;
	s5 =	sshll.u32 s3, $0x1  }
0x5: {  	s3 =	simm.s32 $0x0;
	s4 =	sadd.s32 $0xC00, s4;
	s5 =	sor.u32 s1, s5  }
0x6: {  	[smem:$0x7FF] =	sst s3;
	s6 =	sshll.u32 s5, $0x6;
	s7 =	smul.u32 $0x6000, s5  }
0x7: {  	s1 =	ssub.s32 $0x2, s1;
	s24 =	smul.u32 $0x30000, s5;
	s6 =	sadd.s32 s0, s6  }
0x8: {  	_ =	strace $0x80000047;
	s25 =	sadd.s32 $0x10, s6;
	[dreg:$0xa] =	wrdreg s6  }
0x9: {  	s29 =	sshrl.u32 s1, $0x1;
	s7 =	sadd.s32 s4, s7;
	[dreg:$0x4] =	wrdreg s25  }
0xa: {  	s1 =	ssub.s32 s1, s29;
	s28 =	sadd.s32 $0x20, s6;
	[dreg:$0xb] =	wrdreg s7  }
0xb: {  	s0 =	sshrl.u32 s24, $0x3;
	s31 =	sadd.s32 $0x30, s6;
	[dreg:$0x6] =	wrdreg s28  }
0xc: {  	s26 =	sadd.s32 $0x1800, s7;
	s0 =	sadd.s32 s4, s0;
	[dreg:$0x8] =	wrdreg s31  }
0xd: {  	v2 =	vlaneseq.u32;
	s6 =	sadd.s32 $0x100, s2;
	[dreg:$0x5] =	wrdreg s26;
	s4 =	sadd.s32 $0x3000, s0  }
0xe: {  	vm0 =	vmmov $0xffff;
	v1 =	vshrl.u32 v2, $0x3;
	s8 =	smax.u32 s1, $0x1;
	s0 =	sadd.s32 $0x4800, s0;
	[dreg:$0x7] =	wrdreg s4  }
0xf: {  	v0 =	vand.u32 $0x7, v2;
	v2 =	vor.u32 $0x8, v2;
	v1 =	vmul.u32 $0x8, v1;
	s7 =	sadd.s32 $0x200, s2;
	[dreg:$0x9] =	wrdreg s0;
	s4 =	simm.s32 $0x1  }
.LBB2_1:
0x10: {  	s11 =	rddreg [dreg:$0xa]  }
0x11: {  	[tilespmem:s3], [sflag:$0x2] =	stream.linear.gather [hbm4b:s11+s3], $0x80, $0x38;
	[tilespmem:$0xC080] =	vst v63  }
0x12: {  	_ =	swait.ge [sflag:s9], $0x80  }
0x13: {  	[sflag:s9] =	ssyncset.done $0x0  }
0x14: {  	[sflag:s9] =	ssyncadd.s32 $0xFFFFFF80  }
0x15: {  	v3 =	vld [tilespmem:$0x0];
	_ =	sdelay $0x4  }
0x16: {  	v4 =	vshrl.u32 v3, $0x3  }
0x17: {  	v4 =	vmul.u32 $0x30, v4  }
0x18: {  	v3 =	vand.u32 $0x7, v3  }
0x19: {  	v3 =	vor.u32 v3, v4  }
0x1a: {  	v4 =	vperm.xlane v3, v0;
	_ =	sdelay $0x1  }
0x1b: {  	v4 =	vadd.s32 v1, v4;
	_ =	sdelay $0x3  }
0x1c: {  	v3 =	vperm.xlane v3, v2  }
0x1d: {  	[tilespmem:s30], [sflag:$0x1] =	stream.indirect_vreg.gather [hbm4b:s2+s3], $0x80, v4, vm0, $0xb8;
	[tilespmem:$0xC080] =	vst v63  }
0x1e: {  	s0 =	simm.s32 $0x880;
	v3 =	vadd.s32 v1, v3  }
0x1f: {  	[tilespmem:s0], [sflag:$0x1] =	stream.indirect_vreg.gather [hbm4b:s6+s3], $0x80, v4, vm0, $0xb8;
	[tilespmem:$0xC080] =	vst v63  }
0x20: {  	s26 =	simm.s32 $0x1080  }
0x21: {  	[tilespmem:s26], [sflag:$0x1] =	stream.indirect_vreg.gather [hbm4b:s7+s3], $0x80, v4, vm0, $0xb8;
	[tilespmem:$0xC080] =	vst v63  }
0x22: {  	s28 =	simm.s32 $0x1880  }
0x23: {  	[tilespmem:s28], [sflag:$0x1] =	stream.indirect_vreg.gather [hbm4b:s2+s3], $0x80, v3, vm0, $0xb8;
	[tilespmem:$0xC080] =	vst v63  }
0x24: {  	s29 =	simm.s32 $0x2080  }
0x25: {  	[tilespmem:s29], [sflag:$0x1] =	stream.indirect_vreg.gather [hbm4b:s6+s3], $0x80, v3, vm0, $0xb8;
	[tilespmem:$0xC080] =	vst v63  }
0x26: {  	s31 =	simm.s32 $0x2880  }
0x27: {  	[tilespmem:s31], [sflag:$0x1] =	stream.indirect_vreg.gather [hbm4b:s7+s3], $0x80, v3, vm0, $0xb8;
	[tilespmem:$0xC080] =	vst v63  }
0x28: {  	v3 =	vld [tilespmem:$0x10];
	_ =	sdelay $0x4  }
0x29: {  	v49 =	vshrl.u32 v3, $0x3  }
0x2a: {  	v4 =	vmul.u32 $0x30, v49  }
0x2b: {  	v3 =	vand.u32 $0x7, v3  }
0x2c: {  	v3 =	vor.u32 v3, v4  }
0x2d: {  	v4 =	vperm.xlane v3, v0;
	_ =	sdelay $0x1  }
0x2e: {  	v4 =	vadd.s32 v1, v4;
	_ =	sdelay $0x3  }
0x2f: {  	s1 =	simm.s32 $0x3080;
	v3 =	vperm.xlane v3, v2  }
0x30: {  	[tilespmem:s1], [sflag:$0x1] =	stream.indirect_vreg.gather [hbm4b:s2+s3], $0x80, v4, vm0, $0xb8;
	[tilespmem:$0xC080] =	vst v63  }
0x31: {  	s5 =	simm.s32 $0x3880;
	v3 =	vadd.s32 v1, v3  }
0x32: {  	[tilespmem:s5], [sflag:$0x1] =	stream.indirect_vreg.gather [hbm4b:s6+s3], $0x80, v4, vm0, $0xb8;
	[tilespmem:$0xC080] =	vst v63  }
0x33: {  	s10 =	simm.s32 $0x4080  }
0x34: {  	[tilespmem:s10], [sflag:$0x1] =	stream.indirect_vreg.gather [hbm4b:s7+s3], $0x80, v4, vm0, $0xb8;
	[tilespmem:$0xC080] =	vst v63  }
0x35: {  	s11 =	simm.s32 $0x4880  }
0x36: {  	[tilespmem:s11], [sflag:$0x1] =	stream.indirect_vreg.gather [hbm4b:s2+s3], $0x80, v3, vm0, $0xb8;
	[tilespmem:$0xC080] =	vst v63  }
0x37: {  	s12 =	simm.s32 $0x5080  }
0x38: {  	[tilespmem:s12], [sflag:$0x1] =	stream.indirect_vreg.gather [hbm4b:s6+s3], $0x80, v3, vm0, $0xb8;
	[tilespmem:$0xC080] =	vst v63  }
0x39: {  	s13 =	simm.s32 $0x5880  }
0x3a: {  	[tilespmem:s13], [sflag:$0x1] =	stream.indirect_vreg.gather [hbm4b:s7+s3], $0x80, v3, vm0, $0xb8;
	[tilespmem:$0xC080] =	vst v63  }
0x3b: {  	v3 =	vld [tilespmem:$0x20];
	_ =	sdelay $0x4  }
0x3c: {  	v50 =	vshrl.u32 v3, $0x3  }
0x3d: {  	v4 =	vmul.u32 $0x30, v50  }
0x3e: {  	v3 =	vand.u32 $0x7, v3  }
0x3f: {  	v3 =	vor.u32 v3, v4  }
0x40: {  	v4 =	vperm.xlane v3, v0;
	_ =	sdelay $0x1  }
0x41: {  	v4 =	vadd.s32 v1, v4;
	_ =	sdelay $0x3  }
0x42: {  	s14 =	simm.s32 $0x6080;
	v3 =	vperm.xlane v3, v2  }
0x43: {  	[tilespmem:s14], [sflag:$0x1] =	stream.indirect_vreg.gather [hbm4b:s2+s3], $0x80, v4, vm0, $0xb8;
	[tilespmem:$0xC080] =	vst v63  }
0x44: {  	s15 =	simm.s32 $0x6880;
	v3 =	vadd.s32 v1, v3  }
0x45: {  	[tilespmem:s15], [sflag:$0x1] =	stream.indirect_vreg.gather [hbm4b:s6+s3], $0x80, v4, vm0, $0xb8;
	[tilespmem:$0xC080] =	vst v63  }
0x46: {  	s16 =	simm.s32 $0x7080  }
0x47: {  	[tilespmem:s16], [sflag:$0x1] =	stream.indirect_vreg.gather [hbm4b:s7+s3], $0x80, v4, vm0, $0xb8;
	[tilespmem:$0xC080] =	vst v63  }
0x48: {  	s17 =	simm.s32 $0x7880  }
0x49: {  	[tilespmem:s17], [sflag:$0x1] =	stream.indirect_vreg.gather [hbm4b:s2+s3], $0x80, v3, vm0, $0xb8;
	[tilespmem:$0xC080] =	vst v63  }
0x4a: {  	s18 =	simm.s32 $0x8080  }
0x4b: {  	[tilespmem:s18], [sflag:$0x1] =	stream.indirect_vreg.gather [hbm4b:s6+s3], $0x80, v3, vm0, $0xb8;
	[tilespmem:$0xC080] =	vst v63  }
0x4c: {  	s19 =	simm.s32 $0x8880  }
0x4d: {  	[tilespmem:s19], [sflag:$0x1] =	stream.indirect_vreg.gather [hbm4b:s7+s3], $0x80, v3, vm0, $0xb8;
	[tilespmem:$0xC080] =	vst v63  }
0x4e: {  	v3 =	vld [tilespmem:$0x30];
	_ =	sdelay $0x4  }
0x4f: {  	v51 =	vshrl.u32 v3, $0x3  }
0x50: {  	v4 =	vmul.u32 $0x30, v51  }
0x51: {  	v3 =	vand.u32 $0x7, v3  }
0x52: {  	v3 =	vor.u32 v3, v4  }
0x53: {  	v4 =	vperm.xlane v3, v0;
	_ =	sdelay $0x1  }
0x54: {  	v4 =	vadd.s32 v1, v4;
	_ =	sdelay $0x3  }
0x55: {  	s20 =	simm.s32 $0x9080;
	v3 =	vperm.xlane v3, v2  }
0x56: {  	[tilespmem:s20], [sflag:$0x1] =	stream.indirect_vreg.gather [hbm4b:s2+s3], $0x80, v4, vm0, $0xb8;
	[tilespmem:$0xC080] =	vst v63  }
0x57: {  	s21 =	simm.s32 $0x9880;
	v3 =	vadd.s32 v1, v3  }
0x58: {  	[tilespmem:s21], [sflag:$0x1] =	stream.indirect_vreg.gather [hbm4b:s6+s3], $0x80, v4, vm0, $0xb8;
	[tilespmem:$0xC080] =	vst v63  }
0x59: {  	s22 =	simm.s32 $0xA080  }
0x5a: {  	[tilespmem:s22], [sflag:$0x1] =	stream.indirect_vreg.gather [hbm4b:s7+s3], $0x80, v4, vm0, $0xb8;
	[tilespmem:$0xC080] =	vst v63  }
0x5b: {  	s23 =	simm.s32 $0xA880  }
0x5c: {  	[tilespmem:s23], [sflag:$0x1] =	stream.indirect_vreg.gather [hbm4b:s2+s3], $0x80, v3, vm0, $0xb8;
	[tilespmem:$0xC080] =	vst v63  }
0x5d: {  	s24 =	simm.s32 $0xB080  }
0x5e: {  	[tilespmem:s24], [sflag:$0x1] =	stream.indirect_vreg.gather [hbm4b:s6+s3], $0x80, v3, vm0, $0xb8;
	[tilespmem:$0xC080] =	vst v63  }
0x5f: {  	s25 =	simm.s32 $0xB880  }
0x60: {  	[tilespmem:s25], [sflag:$0x1] =	stream.indirect_vreg.gather [hbm4b:s7+s3], $0x80, v3, vm0, $0xb8;
	[tilespmem:$0xC080] =	vst v63  }
0x61: {  	_ =	swait.ge [sflag:s4], $0xC000  }
0x62: {  	[sflag:s4] =	ssyncset.done $0x0  }
0x63: {  	s26 =	rddreg [dreg:$0xb];
	[sflag:s4] =	ssyncadd.s32 $0xFFFF4000  }
0x64: {  	[hbm4b:s26+s3] =	stream.linear.scatter [tilespmem:s30], [sflag:$0x2], $0xC000, $0x38;
	[tilespmem:$0xC080] =	vst v63  }
0x65: {  	_ =	swait.ge [sflag:s9], $0xC000  }
0x66: {  	[sflag:s9] =	ssyncset.done $0x0  }
0x67: {  	s28 =	rddreg [dreg:$0x4];
	[sflag:s9] =	ssyncadd.s32 $0xFFFF4000  }
0x68: {  	[tilespmem:s3], [sflag:$0x2] =	stream.linear.gather [hbm4b:s28+s3], $0x80, $0x38;
	[tilespmem:$0xC080] =	vst v63  }
0x69: {  	_ =	swait.ge [sflag:s9], $0x80  }
0x6a: {  	[sflag:s9] =	ssyncset.done $0x0  }
0x6b: {  	[sflag:s9] =	ssyncadd.s32 $0xFFFFFF80  }
0x6c: {  	v3 =	vld [tilespmem:$0x0];
	_ =	sdelay $0x4  }
0x6d: {  	v52 =	vshrl.u32 v3, $0x3  }
0x6e: {  	v4 =	vmul.u32 $0x30, v52  }
0x6f: {  	v3 =	vand.u32 $0x7, v3  }
0x70: {  	v3 =	vor.u32 v3, v4  }
0x71: {  	v4 =	vperm.xlane v3, v0;
	_ =	sdelay $0x1  }
0x72: {  	v4 =	vadd.s32 v1, v4;
	_ =	sdelay $0x3  }
0x73: {  	v3 =	vperm.xlane v3, v2  }
0x74: {  	[tilespmem:s30], [sflag:$0x1] =	stream.indirect_vreg.gather [hbm4b:s2+s3], $0x80, v4, vm0, $0xb8;
	[tilespmem:$0xC080] =	vst v63  }
0x75: {  	s1 =	simm.s32 $0x880;
	v3 =	vadd.s32 v1, v3  }
0x76: {  	[tilespmem:s1], [sflag:$0x1] =	stream.indirect_vreg.gather [hbm4b:s6+s3], $0x80, v4, vm0, $0xb8;
	[tilespmem:$0xC080] =	vst v63  }
0x77: {  	s5 =	simm.s32 $0x1080  }
0x78: {  	[tilespmem:s5], [sflag:$0x1] =	stream.indirect_vreg.gather [hbm4b:s7+s3], $0x80, v4, vm0, $0xb8;
	[tilespmem:$0xC080] =	vst v63  }
0x79: {  	s10 =	simm.s32 $0x1880  }
0x7a: {  	[tilespmem:s10], [sflag:$0x1] =	stream.indirect_vreg.gather [hbm4b:s2+s3], $0x80, v3, vm0, $0xb8;
	[tilespmem:$0xC080] =	vst v63  }
0x7b: {  	s12 =	simm.s32 $0x2080  }
0x7c: {  	[tilespmem:s12], [sflag:$0x1] =	stream.indirect_vreg.gather [hbm4b:s6+s3], $0x80, v3, vm0, $0xb8;
	[tilespmem:$0xC080] =	vst v63  }
0x7d: {  	s13 =	simm.s32 $0x2880  }
0x7e: {  	[tilespmem:s13], [sflag:$0x1] =	stream.indirect_vreg.gather [hbm4b:s7+s3], $0x80, v3, vm0, $0xb8;
	[tilespmem:$0xC080] =	vst v63  }
0x7f: {  	v3 =	vld [tilespmem:$0x10];
	_ =	sdelay $0x4  }
0x80: {  	v53 =	vshrl.u32 v3, $0x3  }
0x81: {  	v4 =	vmul.u32 $0x30, v53  }
0x82: {  	v3 =	vand.u32 $0x7, v3  }
0x83: {  	v3 =	vor.u32 v3, v4  }
0x84: {  	v4 =	vperm.xlane v3, v0;
	_ =	sdelay $0x1  }
0x85: {  	v4 =	vadd.s32 v1, v4;
	_ =	sdelay $0x3  }
0x86: {  	s14 =	simm.s32 $0x3080;
	v3 =	vperm.xlane v3, v2  }
0x87: {  	[tilespmem:s14], [sflag:$0x1] =	stream.indirect_vreg.gather [hbm4b:s2+s3], $0x80, v4, vm0, $0xb8;
	[tilespmem:$0xC080] =	vst v63  }
0x88: {  	s15 =	simm.s32 $0x3880;
	v3 =	vadd.s32 v1, v3  }
0x89: {  	[tilespmem:s15], [sflag:$0x1] =	stream.indirect_vreg.gather [hbm4b:s6+s3], $0x80, v4, vm0, $0xb8;
	[tilespmem:$0xC080] =	vst v63  }
0x8a: {  	s16 =	simm.s32 $0x4080  }
0x8b: {  	[tilespmem:s16], [sflag:$0x1] =	stream.indirect_vreg.gather [hbm4b:s7+s3], $0x80, v4, vm0, $0xb8;
	[tilespmem:$0xC080] =	vst v63  }
0x8c: {  	s17 =	simm.s32 $0x4880  }
0x8d: {  	[tilespmem:s17], [sflag:$0x1] =	stream.indirect_vreg.gather [hbm4b:s2+s3], $0x80, v3, vm0, $0xb8;
	[tilespmem:$0xC080] =	vst v63  }
0x8e: {  	s18 =	simm.s32 $0x5080  }
0x8f: {  	[tilespmem:s18], [sflag:$0x1] =	stream.indirect_vreg.gather [hbm4b:s6+s3], $0x80, v3, vm0, $0xb8;
	[tilespmem:$0xC080] =	vst v63  }
0x90: {  	s19 =	simm.s32 $0x5880  }
0x91: {  	[tilespmem:s19], [sflag:$0x1] =	stream.indirect_vreg.gather [hbm4b:s7+s3], $0x80, v3, vm0, $0xb8;
	[tilespmem:$0xC080] =	vst v63  }
0x92: {  	v3 =	vld [tilespmem:$0x20];
	_ =	sdelay $0x4  }
0x93: {  	v54 =	vshrl.u32 v3, $0x3  }
0x94: {  	v4 =	vmul.u32 $0x30, v54  }
0x95: {  	v3 =	vand.u32 $0x7, v3  }
0x96: {  	v3 =	vor.u32 v3, v4  }
0x97: {  	v4 =	vperm.xlane v3, v0;
	_ =	sdelay $0x1  }
0x98: {  	v4 =	vadd.s32 v1, v4;
	_ =	sdelay $0x3  }
0x99: {  	s20 =	simm.s32 $0x6080;
	v3 =	vperm.xlane v3, v2  }
0x9a: {  	[tilespmem:s20], [sflag:$0x1] =	stream.indirect_vreg.gather [hbm4b:s2+s3], $0x80, v4, vm0, $0xb8;
	[tilespmem:$0xC080] =	vst v63  }
0x9b: {  	s21 =	simm.s32 $0x6880;
	v3 =	vadd.s32 v1, v3  }
0x9c: {  	[tilespmem:s21], [sflag:$0x1] =	stream.indirect_vreg.gather [hbm4b:s6+s3], $0x80, v4, vm0, $0xb8;
	[tilespmem:$0xC080] =	vst v63  }
0x9d: {  	s22 =	simm.s32 $0x7080  }
0x9e: {  	[tilespmem:s22], [sflag:$0x1] =	stream.indirect_vreg.gather [hbm4b:s7+s3], $0x80, v4, vm0, $0xb8;
	[tilespmem:$0xC080] =	vst v63  }
0x9f: {  	s23 =	simm.s32 $0x7880  }
0xa0: {  	[tilespmem:s23], [sflag:$0x1] =	stream.indirect_vreg.gather [hbm4b:s2+s3], $0x80, v3, vm0, $0xb8;
	[tilespmem:$0xC080] =	vst v63  }
0xa1: {  	s24 =	simm.s32 $0x8080  }
0xa2: {  	[tilespmem:s24], [sflag:$0x1] =	stream.indirect_vreg.gather [hbm4b:s6+s3], $0x80, v3, vm0, $0xb8;
	[tilespmem:$0xC080] =	vst v63  }
0xa3: {  	s25 =	simm.s32 $0x8880  }
0xa4: {  	[tilespmem:s25], [sflag:$0x1] =	stream.indirect_vreg.gather [hbm4b:s7+s3], $0x80, v3, vm0, $0xb8;
	[tilespmem:$0xC080] =	vst v63  }
0xa5: {  	v3 =	vld [tilespmem:$0x30];
	_ =	sdelay $0x4  }
0xa6: {  	v55 =	vshrl.u32 v3, $0x3  }
0xa7: {  	v4 =	vmul.u32 $0x30, v55  }
0xa8: {  	v3 =	vand.u32 $0x7, v3  }
0xa9: {  	v3 =	vor.u32 v3, v4  }
0xaa: {  	v4 =	vperm.xlane v3, v0;
	_ =	sdelay $0x1  }
0xab: {  	v4 =	vadd.s32 v1, v4;
	_ =	sdelay $0x3  }
0xac: {  	s26 =	simm.s32 $0x9080;
	v3 =	vperm.xlane v3, v2  }
0xad: {  	[tilespmem:s26], [sflag:$0x1] =	stream.indirect_vreg.gather [hbm4b:s2+s3], $0x80, v4, vm0, $0xb8;
	[tilespmem:$0xC080] =	vst v63  }
0xae: {  	s28 =	simm.s32 $0x9880;
	v3 =	vadd.s32 v1, v3  }
0xaf: {  	[tilespmem:s28], [sflag:$0x1] =	stream.indirect_vreg.gather [hbm4b:s6+s3], $0x80, v4, vm0, $0xb8;
	[tilespmem:$0xC080] =	vst v63  }
0xb0: {  	s0 =	simm.s32 $0xA080  }
0xb1: {  	[tilespmem:s0], [sflag:$0x1] =	stream.indirect_vreg.gather [hbm4b:s7+s3], $0x80, v4, vm0, $0xb8;
	[tilespmem:$0xC080] =	vst v63  }
0xb2: {  	s11 =	simm.s32 $0xA880  }
0xb3: {  	[tilespmem:s11], [sflag:$0x1] =	stream.indirect_vreg.gather [hbm4b:s2+s3], $0x80, v3, vm0, $0xb8;
	[tilespmem:$0xC080] =	vst v63  }
0xb4: {  	s31 =	simm.s32 $0xB080  }
0xb5: {  	[tilespmem:s31], [sflag:$0x1] =	stream.indirect_vreg.gather [hbm4b:s6+s3], $0x80, v3, vm0, $0xb8;
	[tilespmem:$0xC080] =	vst v63  }
0xb6: {  	s29 =	simm.s32 $0xB880  }
0xb7: {  	[tilespmem:s29], [sflag:$0x1] =	stream.indirect_vreg.gather [hbm4b:s7+s3], $0x80, v3, vm0, $0xb8;
	[tilespmem:$0xC080] =	vst v63  }
0xb8: {  	_ =	swait.ge [sflag:s4], $0xC000  }
0xb9: {  	[sflag:s4] =	ssyncset.done $0x0  }
0xba: {  	s29 =	rddreg [dreg:$0x5];
	[sflag:s4] =	ssyncadd.s32 $0xFFFF4000  }
0xbb: {  	[hbm4b:s29+s3] =	stream.linear.scatter [tilespmem:s30], [sflag:$0x2], $0xC000, $0x38;
	[tilespmem:$0xC080] =	vst v63  }
0xbc: {  	_ =	swait.ge [sflag:s9], $0xC000  }
0xbd: {  	[sflag:s9] =	ssyncset.done $0x0  }
0xbe: {  	s29 =	rddreg [dreg:$0x6];
	[sflag:s9] =	ssyncadd.s32 $0xFFFF4000  }
0xbf: {  	[tilespmem:s3], [sflag:$0x2] =	stream.linear.gather [hbm4b:s29+s3], $0x80, $0x38;
	[tilespmem:$0xC080] =	vst v63  }
0xc0: {  	_ =	swait.ge [sflag:s9], $0x80  }
0xc1: {  	[sflag:s9] =	ssyncset.done $0x0  }
0xc2: {  	[sflag:s9] =	ssyncadd.s32 $0xFFFFFF80  }
0xc3: {  	v3 =	vld [tilespmem:$0x0];
	_ =	sdelay $0x4  }
0xc4: {  	v56 =	vshrl.u32 v3, $0x3  }
0xc5: {  	v4 =	vmul.u32 $0x30, v56  }
0xc6: {  	v3 =	vand.u32 $0x7, v3  }
0xc7: {  	v3 =	vor.u32 v3, v4  }
0xc8: {  	v4 =	vperm.xlane v3, v0;
	_ =	sdelay $0x1  }
0xc9: {  	v4 =	vadd.s32 v1, v4;
	_ =	sdelay $0x3  }
0xca: {  	v3 =	vperm.xlane v3, v2  }
0xcb: {  	[tilespmem:s30], [sflag:$0x1] =	stream.indirect_vreg.gather [hbm4b:s2+s3], $0x80, v4, vm0, $0xb8;
	[tilespmem:$0xC080] =	vst v63  }
0xcc: {  	v3 =	vadd.s32 v1, v3  }
0xcd: {  	[tilespmem:s1], [sflag:$0x1] =	stream.indirect_vreg.gather [hbm4b:s6+s3], $0x80, v4, vm0, $0xb8;
	[tilespmem:$0xC080] =	vst v63  }
0xce: {  	_ = 	snop  }
0xcf: {  	[tilespmem:s5], [sflag:$0x1] =	stream.indirect_vreg.gather [hbm4b:s7+s3], $0x80, v4, vm0, $0xb8;
	[tilespmem:$0xC080] =	vst v63  }
0xd0: {  	_ = 	snop  }
0xd1: {  	[tilespmem:s10], [sflag:$0x1] =	stream.indirect_vreg.gather [hbm4b:s2+s3], $0x80, v3, vm0, $0xb8;
	[tilespmem:$0xC080] =	vst v63  }
0xd2: {  	_ = 	snop  }
0xd3: {  	[tilespmem:s12], [sflag:$0x1] =	stream.indirect_vreg.gather [hbm4b:s6+s3], $0x80, v3, vm0, $0xb8;
	[tilespmem:$0xC080] =	vst v63  }
0xd4: {  	_ = 	snop  }
0xd5: {  	[tilespmem:s13], [sflag:$0x1] =	stream.indirect_vreg.gather [hbm4b:s7+s3], $0x80, v3, vm0, $0xb8;
	[tilespmem:$0xC080] =	vst v63  }
0xd6: {  	v3 =	vld [tilespmem:$0x10];
	_ =	sdelay $0x4  }
0xd7: {  	v57 =	vshrl.u32 v3, $0x3  }
0xd8: {  	v4 =	vmul.u32 $0x30, v57  }
0xd9: {  	v3 =	vand.u32 $0x7, v3  }
0xda: {  	v3 =	vor.u32 v3, v4  }
0xdb: {  	v4 =	vperm.xlane v3, v0;
	_ =	sdelay $0x1  }
0xdc: {  	v4 =	vadd.s32 v1, v4;
	_ =	sdelay $0x3  }
0xdd: {  	v3 =	vperm.xlane v3, v2  }
0xde: {  	[tilespmem:s14], [sflag:$0x1] =	stream.indirect_vreg.gather [hbm4b:s2+s3], $0x80, v4, vm0, $0xb8;
	[tilespmem:$0xC080] =	vst v63  }
0xdf: {  	v3 =	vadd.s32 v1, v3  }
0xe0: {  	[tilespmem:s15], [sflag:$0x1] =	stream.indirect_vreg.gather [hbm4b:s6+s3], $0x80, v4, vm0, $0xb8;
	[tilespmem:$0xC080] =	vst v63  }
0xe1: {  	_ = 	snop  }
0xe2: {  	[tilespmem:s16], [sflag:$0x1] =	stream.indirect_vreg.gather [hbm4b:s7+s3], $0x80, v4, vm0, $0xb8;
	[tilespmem:$0xC080] =	vst v63  }
0xe3: {  	_ = 	snop  }
0xe4: {  	[tilespmem:s17], [sflag:$0x1] =	stream.indirect_vreg.gather [hbm4b:s2+s3], $0x80, v3, vm0, $0xb8;
	[tilespmem:$0xC080] =	vst v63  }
0xe5: {  	_ = 	snop  }
0xe6: {  	[tilespmem:s18], [sflag:$0x1] =	stream.indirect_vreg.gather [hbm4b:s6+s3], $0x80, v3, vm0, $0xb8;
	[tilespmem:$0xC080] =	vst v63  }
0xe7: {  	_ = 	snop  }
0xe8: {  	[tilespmem:s19], [sflag:$0x1] =	stream.indirect_vreg.gather [hbm4b:s7+s3], $0x80, v3, vm0, $0xb8;
	[tilespmem:$0xC080] =	vst v63  }
0xe9: {  	v3 =	vld [tilespmem:$0x20];
	_ =	sdelay $0x4  }
0xea: {  	v58 =	vshrl.u32 v3, $0x3  }
0xeb: {  	v4 =	vmul.u32 $0x30, v58  }
0xec: {  	v3 =	vand.u32 $0x7, v3  }
0xed: {  	v3 =	vor.u32 v3, v4  }
0xee: {  	v4 =	vperm.xlane v3, v0;
	_ =	sdelay $0x1  }
0xef: {  	v4 =	vadd.s32 v1, v4;
	_ =	sdelay $0x3  }
0xf0: {  	v3 =	vperm.xlane v3, v2  }
0xf1: {  	[tilespmem:s20], [sflag:$0x1] =	stream.indirect_vreg.gather [hbm4b:s2+s3], $0x80, v4, vm0, $0xb8;
	[tilespmem:$0xC080] =	vst v63  }
0xf2: {  	v3 =	vadd.s32 v1, v3  }
0xf3: {  	[tilespmem:s21], [sflag:$0x1] =	stream.indirect_vreg.gather [hbm4b:s6+s3], $0x80, v4, vm0, $0xb8;
	[tilespmem:$0xC080] =	vst v63  }
0xf4: {  	_ = 	snop  }
0xf5: {  	[tilespmem:s22], [sflag:$0x1] =	stream.indirect_vreg.gather [hbm4b:s7+s3], $0x80, v4, vm0, $0xb8;
	[tilespmem:$0xC080] =	vst v63  }
0xf6: {  	_ = 	snop  }
0xf7: {  	[tilespmem:s23], [sflag:$0x1] =	stream.indirect_vreg.gather [hbm4b:s2+s3], $0x80, v3, vm0, $0xb8;
	[tilespmem:$0xC080] =	vst v63  }
0xf8: {  	_ = 	snop  }
0xf9: {  	[tilespmem:s24], [sflag:$0x1] =	stream.indirect_vreg.gather [hbm4b:s6+s3], $0x80, v3, vm0, $0xb8;
	[tilespmem:$0xC080] =	vst v63  }
0xfa: {  	_ = 	snop  }
0xfb: {  	[tilespmem:s25], [sflag:$0x1] =	stream.indirect_vreg.gather [hbm4b:s7+s3], $0x80, v3, vm0, $0xb8;
	[tilespmem:$0xC080] =	vst v63  }
0xfc: {  	v3 =	vld [tilespmem:$0x30];
	_ =	sdelay $0x4  }
0xfd: {  	v59 =	vshrl.u32 v3, $0x3  }
0xfe: {  	v4 =	vmul.u32 $0x30, v59  }
0xff: {  	v3 =	vand.u32 $0x7, v3  }
0x100: {  	v3 =	vor.u32 v3, v4  }
0x101: {  	v4 =	vperm.xlane v3, v0;
	_ =	sdelay $0x1  }
0x102: {  	v4 =	vadd.s32 v1, v4;
	_ =	sdelay $0x3  }
0x103: {  	v3 =	vperm.xlane v3, v2  }
0x104: {  	[tilespmem:s26], [sflag:$0x1] =	stream.indirect_vreg.gather [hbm4b:s2+s3], $0x80, v4, vm0, $0xb8;
	[tilespmem:$0xC080] =	vst v63  }
0x105: {  	v3 =	vadd.s32 v1, v3  }
0x106: {  	[tilespmem:s28], [sflag:$0x1] =	stream.indirect_vreg.gather [hbm4b:s6+s3], $0x80, v4, vm0, $0xb8;
	[tilespmem:$0xC080] =	vst v63  }
0x107: {  	_ = 	snop  }
0x108: {  	[tilespmem:s0], [sflag:$0x1] =	stream.indirect_vreg.gather [hbm4b:s7+s3], $0x80, v4, vm0, $0xb8;
	[tilespmem:$0xC080] =	vst v63  }
0x109: {  	s29 =	simm.s32 $0xA880  }
0x10a: {  	[tilespmem:s29], [sflag:$0x1] =	stream.indirect_vreg.gather [hbm4b:s2+s3], $0x80, v3, vm0, $0xb8;
	[tilespmem:$0xC080] =	vst v63  }
0x10b: {  	s11 =	simm.s32 $0xB080  }
0x10c: {  	[tilespmem:s11], [sflag:$0x1] =	stream.indirect_vreg.gather [hbm4b:s6+s3], $0x80, v3, vm0, $0xb8;
	[tilespmem:$0xC080] =	vst v63  }
0x10d: {  	s31 =	simm.s32 $0xB880  }
0x10e: {  	[tilespmem:s31], [sflag:$0x1] =	stream.indirect_vreg.gather [hbm4b:s7+s3], $0x80, v3, vm0, $0xb8;
	[tilespmem:$0xC080] =	vst v63  }
0x10f: {  	_ =	swait.ge [sflag:s4], $0xC000  }
0x110: {  	[sflag:s4] =	ssyncset.done $0x0  }
0x111: {  	s11 =	rddreg [dreg:$0x7];
	[sflag:s4] =	ssyncadd.s32 $0xFFFF4000  }
0x112: {  	[hbm4b:s11+s3] =	stream.linear.scatter [tilespmem:s30], [sflag:$0x2], $0xC000, $0x38;
	[tilespmem:$0xC080] =	vst v63  }
0x113: {  	_ =	swait.ge [sflag:s9], $0xC000  }
0x114: {  	[sflag:s9] =	ssyncset.done $0x0  }
0x115: {  	s11 =	rddreg [dreg:$0x8];
	[sflag:s9] =	ssyncadd.s32 $0xFFFF4000  }
0x116: {  	[tilespmem:s3], [sflag:$0x2] =	stream.linear.gather [hbm4b:s11+s3], $0x80, $0x38;
	[tilespmem:$0xC080] =	vst v63  }
0x117: {  	_ =	swait.ge [sflag:s9], $0x80  }
0x118: {  	[sflag:s9] =	ssyncset.done $0x0  }
0x119: {  	[sflag:s9] =	ssyncadd.s32 $0xFFFFFF80  }
0x11a: {  	v3 =	vld [tilespmem:$0x0];
	_ =	sdelay $0x4  }
0x11b: {  	v60 =	vshrl.u32 v3, $0x3  }
0x11c: {  	v4 =	vmul.u32 $0x30, v60  }
0x11d: {  	v3 =	vand.u32 $0x7, v3  }
0x11e: {  	v3 =	vor.u32 v3, v4  }
0x11f: {  	v4 =	vperm.xlane v3, v0;
	_ =	sdelay $0x1  }
0x120: {  	v4 =	vadd.s32 v1, v4;
	_ =	sdelay $0x3  }
0x121: {  	v3 =	vperm.xlane v3, v2  }
0x122: {  	[tilespmem:s30], [sflag:$0x1] =	stream.indirect_vreg.gather [hbm4b:s2+s3], $0x80, v4, vm0, $0xb8;
	[tilespmem:$0xC080] =	vst v63  }
0x123: {  	s1 =	simm.s32 $0x880;
	v3 =	vadd.s32 v1, v3  }
0x124: {  	[tilespmem:s1], [sflag:$0x1] =	stream.indirect_vreg.gather [hbm4b:s6+s3], $0x80, v4, vm0, $0xb8;
	[tilespmem:$0xC080] =	vst v63  }
0x125: {  	s5 =	simm.s32 $0x1080  }
0x126: {  	[tilespmem:s5], [sflag:$0x1] =	stream.indirect_vreg.gather [hbm4b:s7+s3], $0x80, v4, vm0, $0xb8;
	[tilespmem:$0xC080] =	vst v63  }
0x127: {  	s10 =	simm.s32 $0x1880  }
0x128: {  	[tilespmem:s10], [sflag:$0x1] =	stream.indirect_vreg.gather [hbm4b:s2+s3], $0x80, v3, vm0, $0xb8;
	[tilespmem:$0xC080] =	vst v63  }
0x129: {  	s12 =	simm.s32 $0x2080  }
0x12a: {  	[tilespmem:s12], [sflag:$0x1] =	stream.indirect_vreg.gather [hbm4b:s6+s3], $0x80, v3, vm0, $0xb8;
	[tilespmem:$0xC080] =	vst v63  }
0x12b: {  	s13 =	simm.s32 $0x2880  }
0x12c: {  	[tilespmem:s13], [sflag:$0x1] =	stream.indirect_vreg.gather [hbm4b:s7+s3], $0x80, v3, vm0, $0xb8;
	[tilespmem:$0xC080] =	vst v63  }
0x12d: {  	v3 =	vld [tilespmem:$0x10];
	_ =	sdelay $0x4  }
0x12e: {  	v61 =	vshrl.u32 v3, $0x3  }
0x12f: {  	v4 =	vmul.u32 $0x30, v61  }
0x130: {  	v3 =	vand.u32 $0x7, v3  }
0x131: {  	v3 =	vor.u32 v3, v4  }
0x132: {  	v4 =	vperm.xlane v3, v0;
	_ =	sdelay $0x1  }
0x133: {  	v4 =	vadd.s32 v1, v4;
	_ =	sdelay $0x3  }
0x134: {  	s14 =	simm.s32 $0x3080;
	v3 =	vperm.xlane v3, v2  }
0x135: {  	[tilespmem:s14], [sflag:$0x1] =	stream.indirect_vreg.gather [hbm4b:s2+s3], $0x80, v4, vm0, $0xb8;
	[tilespmem:$0xC080] =	vst v63  }
0x136: {  	s15 =	simm.s32 $0x3880;
	v3 =	vadd.s32 v1, v3  }
0x137: {  	[tilespmem:s15], [sflag:$0x1] =	stream.indirect_vreg.gather [hbm4b:s6+s3], $0x80, v4, vm0, $0xb8;
	[tilespmem:$0xC080] =	vst v63  }
0x138: {  	s16 =	simm.s32 $0x4080  }
0x139: {  	[tilespmem:s16], [sflag:$0x1] =	stream.indirect_vreg.gather [hbm4b:s7+s3], $0x80, v4, vm0, $0xb8;
	[tilespmem:$0xC080] =	vst v63  }
0x13a: {  	s17 =	simm.s32 $0x4880  }
0x13b: {  	[tilespmem:s17], [sflag:$0x1] =	stream.indirect_vreg.gather [hbm4b:s2+s3], $0x80, v3, vm0, $0xb8;
	[tilespmem:$0xC080] =	vst v63  }
0x13c: {  	s18 =	simm.s32 $0x5080  }
0x13d: {  	[tilespmem:s18], [sflag:$0x1] =	stream.indirect_vreg.gather [hbm4b:s6+s3], $0x80, v3, vm0, $0xb8;
	[tilespmem:$0xC080] =	vst v63  }
0x13e: {  	s19 =	simm.s32 $0x5880  }
0x13f: {  	[tilespmem:s19], [sflag:$0x1] =	stream.indirect_vreg.gather [hbm4b:s7+s3], $0x80, v3, vm0, $0xb8;
	[tilespmem:$0xC080] =	vst v63  }
0x140: {  	v3 =	vld [tilespmem:$0x20];
	_ =	sdelay $0x4  }
0x141: {  	v62 =	vshrl.u32 v3, $0x3  }
0x142: {  	v4 =	vmul.u32 $0x30, v62  }
0x143: {  	v3 =	vand.u32 $0x7, v3  }
0x144: {  	v3 =	vor.u32 v3, v4  }
0x145: {  	v4 =	vperm.xlane v3, v0;
	_ =	sdelay $0x1  }
0x146: {  	v4 =	vadd.s32 v1, v4;
	_ =	sdelay $0x3  }
0x147: {  	s20 =	simm.s32 $0x6080;
	v3 =	vperm.xlane v3, v2  }
0x148: {  	[tilespmem:s20], [sflag:$0x1] =	stream.indirect_vreg.gather [hbm4b:s2+s3], $0x80, v4, vm0, $0xb8;
	[tilespmem:$0xC080] =	vst v63  }
0x149: {  	s21 =	simm.s32 $0x6880;
	v3 =	vadd.s32 v1, v3  }
0x14a: {  	[tilespmem:s21], [sflag:$0x1] =	stream.indirect_vreg.gather [hbm4b:s6+s3], $0x80, v4, vm0, $0xb8;
	[tilespmem:$0xC080] =	vst v63  }
0x14b: {  	s22 =	simm.s32 $0x7080  }
0x14c: {  	[tilespmem:s22], [sflag:$0x1] =	stream.indirect_vreg.gather [hbm4b:s7+s3], $0x80, v4, vm0, $0xb8;
	[tilespmem:$0xC080] =	vst v63  }
0x14d: {  	s23 =	simm.s32 $0x7880  }
0x14e: {  	[tilespmem:s23], [sflag:$0x1] =	stream.indirect_vreg.gather [hbm4b:s2+s3], $0x80, v3, vm0, $0xb8;
	[tilespmem:$0xC080] =	vst v63  }
0x14f: {  	s24 =	simm.s32 $0x8080  }
0x150: {  	[tilespmem:s24], [sflag:$0x1] =	stream.indirect_vreg.gather [hbm4b:s6+s3], $0x80, v3, vm0, $0xb8;
	[tilespmem:$0xC080] =	vst v63  }
0x151: {  	s25 =	simm.s32 $0x8880  }
0x152: {  	[tilespmem:s25], [sflag:$0x1] =	stream.indirect_vreg.gather [hbm4b:s7+s3], $0x80, v3, vm0, $0xb8;
	[tilespmem:$0xC080] =	vst v63  }
0x153: {  	v3 =	vld [tilespmem:$0x30];
	_ =	sdelay $0x4  }
0x154: {  	v63 =	vshrl.u32 v3, $0x3  }
0x155: {  	v4 =	vmul.u32 $0x30, v63  }
0x156: {  	v3 =	vand.u32 $0x7, v3  }
0x157: {  	v3 =	vor.u32 v3, v4  }
0x158: {  	v4 =	vperm.xlane v3, v0;
	_ =	sdelay $0x1  }
0x159: {  	v4 =	vadd.s32 v1, v4;
	_ =	sdelay $0x3  }
0x15a: {  	s26 =	simm.s32 $0x9080;
	v3 =	vperm.xlane v3, v2  }
0x15b: {  	[tilespmem:s26], [sflag:$0x1] =	stream.indirect_vreg.gather [hbm4b:s2+s3], $0x80, v4, vm0, $0xb8;
	[tilespmem:$0xC080] =	vst v63  }
0x15c: {  	s28 =	simm.s32 $0x9880;
	v3 =	vadd.s32 v1, v3  }
0x15d: {  	[tilespmem:s28], [sflag:$0x1] =	stream.indirect_vreg.gather [hbm4b:s6+s3], $0x80, v4, vm0, $0xb8;
	[tilespmem:$0xC080] =	vst v63  }
0x15e: {  	s0 =	simm.s32 $0xA080  }
0x15f: {  	[tilespmem:s0], [sflag:$0x1] =	stream.indirect_vreg.gather [hbm4b:s7+s3], $0x80, v4, vm0, $0xb8;
	[tilespmem:$0xC080] =	vst v63  }
0x160: {  	s29 =	simm.s32 $0xA880  }
0x161: {  	[tilespmem:s29], [sflag:$0x1] =	stream.indirect_vreg.gather [hbm4b:s2+s3], $0x80, v3, vm0, $0xb8;
	[tilespmem:$0xC080] =	vst v63  }
0x162: {  	s29 =	simm.s32 $0xB080  }
0x163: {  	[tilespmem:s29], [sflag:$0x1] =	stream.indirect_vreg.gather [hbm4b:s6+s3], $0x80, v3, vm0, $0xb8;
	[tilespmem:$0xC080] =	vst v63  }
0x164: {  	s31 =	simm.s32 $0xB880  }
0x165: {  	[tilespmem:s31], [sflag:$0x1] =	stream.indirect_vreg.gather [hbm4b:s7+s3], $0x80, v3, vm0, $0xb8;
	[tilespmem:$0xC080] =	vst v63  }
0x166: {  	_ =	swait.ge [sflag:s4], $0xC000  }
0x167: {  	p0 =	sne.s32 s8, $0x1;
	[sflag:s4] =	ssyncset.done $0x0  }
.Ltmp0:
0x168: {  	s31 =	rddreg [dreg:$0x9];
	[sflag:s4] =	ssyncadd.s32 $0xFFFF4000;
	(pc) =	sbr.rel @p0 .LBB2_1-.Ltmp0, $4  }
0x169: {  	[hbm4b:s31+s3] =	stream.linear.scatter [tilespmem:s30], [sflag:$0x2], $0xC000, $0x38;
	[tilespmem:$0xC080] =	vst v63  }
0x16a: {  	_ =	swait.ge [sflag:s9], $0xC000  }
0x16b: {  	[sflag:s9] =	ssyncset.done $0x0  }
0x16c: {  	s8 =	sadd.s32 $0xFFFFFFFF, s8;
	[sflag:s9] =	ssyncadd.s32 $0xFFFF4000  }
0x16d: {  	_ =	sfence.sel $0x180000  }
0x16e: {  	[bflag:$0x0] =	sbarrier.arrive $0xFFFF  }
0x16f: {  	_ =	strace $0x90000047  }
0x170: {  	s0 =	stileid.u32;
	[bflag:$0x2] =	sbarrier.arrive $0xFFFF  }
0x171: {  	p0 =	sne.s32 s0, $0x0;
	s0 =	rddreg [dreg:$0x3]  }
0x172: {  	s0 =	sadd.s32 @!p0 $0x100000, s0  }
0x173: {  	[sflag:s0] =	ssyncadd.tile.s32 @!p0 $0x1;
	_ =	shalt  }
.Lfunc_end2:
_tile_overlayer_lowered:
.L_overlay_start_2:
0x174: {  	(tag) =	ssettag $0x2  }
0x175: {  	s0 =	rddreg [dreg:$0x0];
	s2 =	stileid.u32  }
0x176: {  	s1 =	rddreg [dreg:$0x1];
	p0 =	sne.s32 s2, $0x0  }
0x177: {  	s3 =	rddreg [dreg:$0x2];
	[bflag:$0x3] =	sbarrier.arrive $0xFFFF;
	s2 =	simm.s32 @!p0 $0x1C02  }
0x178: {  	[timem:s3], [sflag:s2] =	dma.local @!p0 [hbm:s0], s1  }
0x179: {  	s0 =	simm.s32 @!p0 $0x2  }
0x17a: {  	_ =	swait.ge @!p0 [sflag:s0], s1  }
0x17b: {  	s1 =	ssub.s32 @!p0 $0x0, s1;
	[sflag:s0] =	ssyncset.done @!p0 $0x0  }
0x17c: {  	[sflag:s0] =	ssyncadd.s32 @!p0 s1  }
0x17d: {  	[bflag:$0x3] =	sbarrier.arrive $0xFFFF  }
0x17e: {  	_ =	shalt  }

</sc_bundles>
